<compile_context>
chip_gen: v7x
topology: tpu7x:2x2x1
jax: 0.10.2.dev20260603
libtpu: 0.0.44.dev20260713+nightly
codegen_flags: <defaults>
</compile_context>

<pallas_src>
import functools

import jax
import jax.numpy as jnp
from jax import lax
from jax.experimental import pallas as pl
from jax.experimental.pallas import tpu as pltpu
from jax.experimental.pallas import tpu_sc as plsc

_NC = 2
_NS = 16
_NW = _NC * _NS

_CH = 64
_CHUNK_BATCHES = (3, 1)


def _sc_gather(table, flat_ids, off, n_rows):
    d = table.shape[1]
    b_per_w = n_rows // _NW
    n_ch = b_per_w // _CH
    mesh = plsc.VectorSubcoreMesh(core_axis_name="c", subcore_axis_name="s")

    @functools.partial(
        pl.kernel,
        out_type=jax.ShapeDtypeStruct((n_rows, d), jnp.float32),
        mesh=mesh,
        scratch_types=[
            pltpu.VMEM((b_per_w,), jnp.int32),
            pltpu.VMEM((_CH, d), jnp.float32),
            pltpu.VMEM((_CH, d), jnp.float32),
            pltpu.SemaphoreType.DMA,
            pltpu.SemaphoreType.DMA,
        ],
    )
    def gather_kernel(table_hbm, idx_hbm, out_hbm, idx_v, buf0, buf1, sem0, sem1):
        wid = lax.axis_index("s") * _NC + lax.axis_index("c")
        base = wid * b_per_w
        pltpu.sync_copy(idx_hbm.at[pl.ds(off + base, b_per_w)], idx_v)

        bufs = (buf0, buf1)
        sems = (sem0, sem1)
        copies = [None] * n_ch
        copies[0] = pltpu.async_copy(
            table_hbm.at[idx_v.at[pl.ds(0, _CH)]], bufs[0], sems[0]
        )
        for ci in range(n_ch):
            if ci + 1 < n_ch:
                copies[ci + 1] = pltpu.async_copy(
                    table_hbm.at[idx_v.at[pl.ds((ci + 1) * _CH, _CH)]],
                    bufs[(ci + 1) % 2],
                    sems[(ci + 1) % 2],
                )
            copies[ci].wait()
            pltpu.sync_copy(bufs[ci % 2], out_hbm.at[pl.ds(base + ci * _CH, _CH)])

    return gather_kernel(table, flat_ids)


def _fused_body(g_ref, tt_ref, pos_ref, ttab_ref, gam_ref, bet_ref, *rest):
    o_ref = rest[-1]
    x = g_ref[...] + pos_ref[...]
    t = tt_ref[...]
    x = x + jnp.where(t == 0, ttab_ref[0:1, :], ttab_ref[1:2, :])
    mean = jnp.mean(x, axis=1, keepdims=True)
    c = x - mean
    var = jnp.mean(c * c, axis=1, keepdims=True)
    y = c * lax.rsqrt(var + 1e-12)
    o_ref[...] = y * gam_ref[...] + bet_ref[...]


def _tc_fuse_chunk(gathered_c, tt_all, pos, ttab, gamma, beta, out_prev,
                   cb, n_total, chunk_batches, s_blocks, blk):
    d = gathered_c.shape[1]
    in_specs = [
        pl.BlockSpec((blk, d), lambda j, b: (b * s_blocks + j, 0)),
        pl.BlockSpec((blk, 1), lambda j, b: ((cb + b) * s_blocks + j, 0)),
        pl.BlockSpec((blk, d), lambda j, b: (j, 0)),
        pl.BlockSpec(ttab.shape, lambda j, b: (0, 0)),
        pl.BlockSpec((1, d), lambda j, b: (0, 0)),
        pl.BlockSpec((1, d), lambda j, b: (0, 0)),
    ]
    args = [gathered_c, tt_all, pos, ttab, gamma, beta]
    aliases = {}
    if out_prev is not None:
        in_specs.append(pl.BlockSpec((8, 128), lambda j, b: (0, 0)))
        args.append(out_prev)
        aliases = {6: 0}
    return pl.pallas_call(
        _fused_body,
        grid=(s_blocks, chunk_batches),
        in_specs=in_specs,
        out_specs=pl.BlockSpec(
            (blk, d), lambda j, b: ((cb + b) * s_blocks + j, 0)),
        out_shape=jax.ShapeDtypeStruct((n_total, d), jnp.float32),
        input_output_aliases=aliases,
    )(*args)


def kernel(input_ids, token_type_ids, token_embedding, position_embedding,
           token_type_embedding, ln_gamma, ln_beta):
    b, s = input_ids.shape
    d = token_embedding.shape[1]
    n = b * s
    blk = 2048
    s_blocks = s // blk

    flat_ids = input_ids.reshape(n).astype(jnp.int32)
    tt = token_type_ids.reshape(n, 1).astype(jnp.int32)
    gamma = ln_gamma.reshape(1, d)
    beta = ln_beta.reshape(1, d)

    batch_offs = [sum(_CHUNK_BATCHES[:i]) for i in range(len(_CHUNK_BATCHES))]
    gathered = [
        _sc_gather(token_embedding, flat_ids, cb * s, nb * s)
        for cb, nb in zip(batch_offs, _CHUNK_BATCHES)
    ]
    out = None
    for g, cb, nb in zip(gathered, batch_offs, _CHUNK_BATCHES):
        out = _tc_fuse_chunk(
            g, tt, position_embedding, token_type_embedding,
            gamma, beta, out, cb, n, nb, s_blocks, blk)
    return out.reshape(b, s, d)

# --- scband reference (transcript-rebuilt; emitter-appended) ---
"""Pipeline reference for scband-bert-embedding-57432302682211 (READ-ONLY COPY).

The authoritative reference and input builder live on the scoring server;
editing this copy changes nothing except your own understanding.
"""

import jax, jax.numpy as jnp
import numpy as np

VOCAB = 100000
MAX_POS = 2048
D = 768
TYPE_VOCAB = 2
EPS = 1e-12
B, S = 4, 2048

def setup_inputs(seed: int = 0) -> dict:
    key = jax.random.key(seed)
    k1, k2, k3, k4, k5 = jax.random.split(key, 5)
    input_ids = jax.random.randint(k1, (B, S), 0, VOCAB, dtype=jnp.int64) if jax.config.jax_enable_x64 else jax.random.randint(k1, (B, S), 0, VOCAB, dtype=jnp.int32)
    token_type_ids = jax.random.randint(k2, (B, S), 0, TYPE_VOCAB, dtype=jnp.int32)
    token_embedding = jax.random.normal(k3, (VOCAB, D), dtype=jnp.float32) * 0.02
    position_embedding = jax.random.normal(k4, (MAX_POS, D), dtype=jnp.float32) * 0.02
    token_type_embedding = jax.random.normal(k5, (TYPE_VOCAB, D), dtype=jnp.float32) * 0.02
    ln_gamma = jnp.ones((D,), dtype=jnp.float32)
    ln_beta = jnp.zeros((D,), dtype=jnp.float32)
    return {
        'input_ids': input_ids,
        'token_type_ids': token_type_ids,
        'token_embedding': token_embedding,
        'position_embedding': position_embedding,
        'token_type_embedding': token_type_embedding,
        'ln_gamma': ln_gamma,
        'ln_beta': ln_beta,
    }

def _layer_norm(x, gamma, beta, eps=EPS):
    mean = jnp.mean(x, axis=-1, keepdims=True)
    var = jnp.mean(jnp.square(x - mean), axis=-1, keepdims=True)
    normed = (x - mean) * jax.lax.rsqrt(var + eps)
    return normed * gamma + beta

def reference(input_ids, token_type_ids, token_embedding, position_embedding, token_type_embedding, ln_gamma, ln_beta):
    seq_len = input_ids.shape[1]
    position_ids = jnp.arange(seq_len, dtype=jnp.int32)[None, :]
    position_embeddings = jnp.take(position_embedding, position_ids, axis=0)
    token_type_embeddings = jnp.take(token_type_embedding, token_type_ids, axis=0)
    token_embeddings = jnp.take(token_embedding, input_ids, axis=0)
    embeddings = token_embeddings + token_type_embeddings + position_embeddings
    embeddings = _layer_norm(embeddings, ln_gamma, ln_beta)
    # dropout is identity in inference mode (training=None)
    return embeddings

if __name__ == "__main__":
    import jax
    _d = setup_inputs()
    print(jax.jit(kernel)(*tuple(_d.values())))

</pallas_src>

<mosaic_0001>
#map = affine_map<(d0, d1) -> (0, 0)>
#map1 = affine_map<(d0, d1) -> (0)>
module attributes {stable_mosaic.version = 14 : i64} {
  func.func @gather_kernel(%arg0: i32, %arg1: i32, %arg2: memref<100000x768xf32, #tpu.memory_space<hbm>>, %arg3: memref<8192xi32, #tpu.memory_space<hbm>>, %arg4: memref<6144x768xf32, #tpu.memory_space<hbm>>, %arg5: memref<192xi32, #tpu.memory_space<vmem>>, %arg6: memref<64x768xf32, #tpu.memory_space<vmem>>, %arg7: memref<64x768xf32, #tpu.memory_space<vmem>>, %arg8: memref<!tpu.dma_semaphore, #tpu.memory_space<semaphore_mem>>, %arg9: memref<!tpu.dma_semaphore, #tpu.memory_space<semaphore_mem>>) attributes {dimension_semantics = [#tpu.dimension_semantics<core_parallel>, #tpu.dimension_semantics<subcore_parallel>], iteration_bounds = array<i64: 2, 16>, scalar_prefetch = 0 : i64, scratch_operands = 5 : i64, tpu.core_type = #tpu.core_type<sc_vector_subcore>, window_params = [{transform_indices = #map}, {transform_indices = #map1}, {transform_indices = #map}]} {
    %mul3A = arith.constant 2 : i32
    %mul3A_0 = arith.muli %arg1, %mul3A : i32
    %add3A = arith.addi %mul3A_0, %arg0 : i32
    %mul3A_1 = arith.constant 192 : i32
    %mul3A_2 = arith.muli %add3A, %mul3A_1 : i32
    %add3A_3 = arith.constant 0 : i32
    %add3A_4 = arith.addi %add3A_3, %mul3A_2 : i32
    "tpu.region"() ({
      %run_scoped3A = tpu.sem_alloc : memref<!tpu.dma_semaphore, #tpu.memory_space<semaphore_mem>>
      %dma_start3A_39 = tpu.memref_slice %arg3[%add3A_4] : memref<8192xi32, #tpu.memory_space<hbm>> -> memref<192xi32, #tpu.memory_space<hbm>>
      %dma_start3A_40 = tpu.memref_slice %arg3[%add3A_4] : memref<8192xi32, #tpu.memory_space<hbm>> -> memref<192xi32, #tpu.memory_space<hbm>>
      tpu.enqueue_dma source(%dma_start3A_40 : memref<192xi32, #tpu.memory_space<hbm>>) target(%arg5 : memref<192xi32, #tpu.memory_space<vmem>>) target_semaphore(%run_scoped3A : memref<!tpu.dma_semaphore, #tpu.memory_space<semaphore_mem>>)
      %dma_wait3A_41 = tpu.memref_slice %arg3[%add3A_4] : memref<8192xi32, #tpu.memory_space<hbm>> -> memref<192xi32, #tpu.memory_space<hbm>>
      %dma_wait3A_42 = tpu.memref_slice %arg3[%add3A_4] : memref<8192xi32, #tpu.memory_space<hbm>> -> memref<192xi32, #tpu.memory_space<hbm>>
      tpu.wait_dma2 semaphore(%run_scoped3A : memref<!tpu.dma_semaphore, #tpu.memory_space<semaphore_mem>>) src(%dma_wait3A_42 : memref<192xi32, #tpu.memory_space<hbm>>) dst(%arg5 : memref<192xi32, #tpu.memory_space<vmem>>)
      tpu.yield
    }) : () -> ()
    %dma_start3A = arith.constant 0 : i32
    %dma_start3A_5 = tpu.memref_slice %arg5[%dma_start3A] : memref<192xi32, #tpu.memory_space<vmem>> -> memref<64xi32, #tpu.memory_space<vmem>>
    %dma_start3A_6 = arith.constant 0 : i32
    %dma_start3A_7 = arith.constant 0 : i32
    %dma_start3A_8 = tpu.memref_slice %arg2[%dma_start3A_6, %dma_start3A_7] : memref<100000x768xf32, #tpu.memory_space<hbm>> -> memref<100000x768xf32, #tpu.memory_space<hbm>>
    tpu.enqueue_indirect_dma source(%dma_start3A_8 : memref<100000x768xf32, #tpu.memory_space<hbm>>) target(%arg6 : memref<64x768xf32, #tpu.memory_space<vmem>>) offsets(%dma_start3A_5 : memref<64xi32, #tpu.memory_space<vmem>>) semaphore(%arg8 : memref<!tpu.dma_semaphore, #tpu.memory_space<semaphore_mem>>)
    %dma_start3A_9 = arith.constant 64 : i32
    %dma_start3A_10 = tpu.memref_slice %arg5[%dma_start3A_9] : memref<192xi32, #tpu.memory_space<vmem>> -> memref<64xi32, #tpu.memory_space<vmem>>
    %dma_start3A_11 = arith.constant 0 : i32
    %dma_start3A_12 = arith.constant 0 : i32
    %dma_start3A_13 = tpu.memref_slice %arg2[%dma_start3A_11, %dma_start3A_12] : memref<100000x768xf32, #tpu.memory_space<hbm>> -> memref<100000x768xf32, #tpu.memory_space<hbm>>
    tpu.enqueue_indirect_dma source(%dma_start3A_13 : memref<100000x768xf32, #tpu.memory_space<hbm>>) target(%arg7 : memref<64x768xf32, #tpu.memory_space<vmem>>) offsets(%dma_start3A_10 : memref<64xi32, #tpu.memory_space<vmem>>) semaphore(%arg9 : memref<!tpu.dma_semaphore, #tpu.memory_space<semaphore_mem>>)
    %dma_wait3A = arith.constant 0 : i32
    %dma_wait3A_14 = tpu.memref_slice %arg5[%dma_wait3A] : memref<192xi32, #tpu.memory_space<vmem>> -> memref<64xi32, #tpu.memory_space<vmem>>
    %dma_wait3A_15 = arith.constant 0 : i32
    %dma_wait3A_16 = arith.constant 0 : i32
    %dma_wait3A_17 = tpu.memref_slice %arg2[%dma_wait3A_15, %dma_wait3A_16] : memref<100000x768xf32, #tpu.memory_space<hbm>> -> memref<100000x768xf32, #tpu.memory_space<hbm>>
    tpu.wait_indirect_dma semaphore(%arg8 : memref<!tpu.dma_semaphore, #tpu.memory_space<semaphore_mem>>) src(%dma_wait3A_17 : memref<100000x768xf32, #tpu.memory_space<hbm>>) dst(%arg6 : memref<64x768xf32, #tpu.memory_space<vmem>>)
    %add3A_18 = arith.constant 0 : i32
    %add3A_19 = arith.addi %mul3A_2, %add3A_18 : i32
    "tpu.region"() ({
      %run_scoped3A = tpu.sem_alloc : memref<!tpu.dma_semaphore, #tpu.memory_space<semaphore_mem>>
      %dma_start3A_39 = arith.constant 0 : i32
      %dma_start3A_40 = tpu.memref_slice %arg4[%add3A_19, %dma_start3A_39] : memref<6144x768xf32, #tpu.memory_space<hbm>> -> memref<64x768xf32, #tpu.memory_space<hbm>>
      %dma_start3A_41 = arith.constant 0 : i32
      %dma_start3A_42 = tpu.memref_slice %arg4[%add3A_19, %dma_start3A_41] : memref<6144x768xf32, #tpu.memory_space<hbm>> -> memref<64x768xf32, #tpu.memory_space<hbm>>
      tpu.enqueue_dma source(%arg6 : memref<64x768xf32, #tpu.memory_space<vmem>>) target(%dma_start3A_42 : memref<64x768xf32, #tpu.memory_space<hbm>>) target_semaphore(%run_scoped3A : memref<!tpu.dma_semaphore, #tpu.memory_space<semaphore_mem>>)
      %dma_wait3A_43 = arith.constant 0 : i32
      %dma_wait3A_44 = tpu.memref_slice %arg4[%add3A_19, %dma_wait3A_43] : memref<6144x768xf32, #tpu.memory_space<hbm>> -> memref<64x768xf32, #tpu.memory_space<hbm>>
      %dma_wait3A_45 = arith.constant 0 : i32
      %dma_wait3A_46 = tpu.memref_slice %arg4[%add3A_19, %dma_wait3A_45] : memref<6144x768xf32, #tpu.memory_space<hbm>> -> memref<64x768xf32, #tpu.memory_space<hbm>>
      tpu.wait_dma2 semaphore(%run_scoped3A : memref<!tpu.dma_semaphore, #tpu.memory_space<semaphore_mem>>) src(%arg6 : memref<64x768xf32, #tpu.memory_space<vmem>>) dst(%dma_wait3A_46 : memref<64x768xf32, #tpu.memory_space<hbm>>)
      tpu.yield
    }) : () -> ()
    %dma_start3A_20 = arith.constant 128 : i32
    %dma_start3A_21 = tpu.memref_slice %arg5[%dma_start3A_20] : memref<192xi32, #tpu.memory_space<vmem>> -> memref<64xi32, #tpu.memory_space<vmem>>
    %dma_start3A_22 = arith.constant 0 : i32
    %dma_start3A_23 = arith.constant 0 : i32
    %dma_start3A_24 = tpu.memref_slice %arg2[%dma_start3A_22, %dma_start3A_23] : memref<100000x768xf32, #tpu.memory_space<hbm>> -> memref<100000x768xf32, #tpu.memory_space<hbm>>
    tpu.enqueue_indirect_dma source(%dma_start3A_24 : memref<100000x768xf32, #tpu.memory_space<hbm>>) target(%arg6 : memref<64x768xf32, #tpu.memory_space<vmem>>) offsets(%dma_start3A_21 : memref<64xi32, #tpu.memory_space<vmem>>) semaphore(%arg8 : memref<!tpu.dma_semaphore, #tpu.memory_space<semaphore_mem>>)
    %dma_wait3A_25 = arith.constant 64 : i32
    %dma_wait3A_26 = tpu.memref_slice %arg5[%dma_wait3A_25] : memref<192xi32, #tpu.memory_space<vmem>> -> memref<64xi32, #tpu.memory_space<vmem>>
    %dma_wait3A_27 = arith.constant 0 : i32
    %dma_wait3A_28 = arith.constant 0 : i32
    %dma_wait3A_29 = tpu.memref_slice %arg2[%dma_wait3A_27, %dma_wait3A_28] : memref<100000x768xf32, #tpu.memory_space<hbm>> -> memref<100000x768xf32, #tpu.memory_space<hbm>>
    tpu.wait_indirect_dma semaphore(%arg9 : memref<!tpu.dma_semaphore, #tpu.memory_space<semaphore_mem>>) src(%dma_wait3A_29 : memref<100000x768xf32, #tpu.memory_space<hbm>>) dst(%arg7 : memref<64x768xf32, #tpu.memory_space<vmem>>)
    %add3A_30 = arith.constant 64 : i32
    %add3A_31 = arith.addi %mul3A_2, %add3A_30 : i32
    "tpu.region"() ({
      %run_scoped3A = tpu.sem_alloc : memref<!tpu.dma_semaphore, #tpu.memory_space<semaphore_mem>>
      %dma_start3A_39 = arith.constant 0 : i32
      %dma_start3A_40 = tpu.memref_slice %arg4[%add3A_31, %dma_start3A_39] : memref<6144x768xf32, #tpu.memory_space<hbm>> -> memref<64x768xf32, #tpu.memory_space<hbm>>
      %dma_start3A_41 = arith.constant 0 : i32
      %dma_start3A_42 = tpu.memref_slice %arg4[%add3A_31, %dma_start3A_41] : memref<6144x768xf32, #tpu.memory_space<hbm>> -> memref<64x768xf32, #tpu.memory_space<hbm>>
      tpu.enqueue_dma source(%arg7 : memref<64x768xf32, #tpu.memory_space<vmem>>) target(%dma_start3A_42 : memref<64x768xf32, #tpu.memory_space<hbm>>) target_semaphore(%run_scoped3A : memref<!tpu.dma_semaphore, #tpu.memory_space<semaphore_mem>>)
      %dma_wait3A_43 = arith.constant 0 : i32
      %dma_wait3A_44 = tpu.memref_slice %arg4[%add3A_31, %dma_wait3A_43] : memref<6144x768xf32, #tpu.memory_space<hbm>> -> memref<64x768xf32, #tpu.memory_space<hbm>>
      %dma_wait3A_45 = arith.constant 0 : i32
      %dma_wait3A_46 = tpu.memref_slice %arg4[%add3A_31, %dma_wait3A_45] : memref<6144x768xf32, #tpu.memory_space<hbm>> -> memref<64x768xf32, #tpu.memory_space<hbm>>
      tpu.wait_dma2 semaphore(%run_scoped3A : memref<!tpu.dma_semaphore, #tpu.memory_space<semaphore_mem>>) src(%arg7 : memref<64x768xf32, #tpu.memory_space<vmem>>) dst(%dma_wait3A_46 : memref<64x768xf32, #tpu.memory_space<hbm>>)
      tpu.yield
    }) : () -> ()
    %dma_wait3A_32 = arith.constant 128 : i32
    %dma_wait3A_33 = tpu.memref_slice %arg5[%dma_wait3A_32] : memref<192xi32, #tpu.memory_space<vmem>> -> memref<64xi32, #tpu.memory_space<vmem>>
    %dma_wait3A_34 = arith.constant 0 : i32
    %dma_wait3A_35 = arith.constant 0 : i32
    %dma_wait3A_36 = tpu.memref_slice %arg2[%dma_wait3A_34, %dma_wait3A_35] : memref<100000x768xf32, #tpu.memory_space<hbm>> -> memref<100000x768xf32, #tpu.memory_space<hbm>>
    tpu.wait_indirect_dma semaphore(%arg8 : memref<!tpu.dma_semaphore, #tpu.memory_space<semaphore_mem>>) src(%dma_wait3A_36 : memref<100000x768xf32, #tpu.memory_space<hbm>>) dst(%arg6 : memref<64x768xf32, #tpu.memory_space<vmem>>)
    %add3A_37 = arith.constant 128 : i32
    %add3A_38 = arith.addi %mul3A_2, %add3A_37 : i32
    "tpu.region"() ({
      %run_scoped3A = tpu.sem_alloc : memref<!tpu.dma_semaphore, #tpu.memory_space<semaphore_mem>>
      %dma_start3A_39 = arith.constant 0 : i32
      %dma_start3A_40 = tpu.memref_slice %arg4[%add3A_38, %dma_start3A_39] : memref<6144x768xf32, #tpu.memory_space<hbm>> -> memref<64x768xf32, #tpu.memory_space<hbm>>
      %dma_start3A_41 = arith.constant 0 : i32
      %dma_start3A_42 = tpu.memref_slice %arg4[%add3A_38, %dma_start3A_41] : memref<6144x768xf32, #tpu.memory_space<hbm>> -> memref<64x768xf32, #tpu.memory_space<hbm>>
      tpu.enqueue_dma source(%arg6 : memref<64x768xf32, #tpu.memory_space<vmem>>) target(%dma_start3A_42 : memref<64x768xf32, #tpu.memory_space<hbm>>) target_semaphore(%run_scoped3A : memref<!tpu.dma_semaphore, #tpu.memory_space<semaphore_mem>>)
      %dma_wait3A_43 = arith.constant 0 : i32
      %dma_wait3A_44 = tpu.memref_slice %arg4[%add3A_38, %dma_wait3A_43] : memref<6144x768xf32, #tpu.memory_space<hbm>> -> memref<64x768xf32, #tpu.memory_space<hbm>>
      %dma_wait3A_45 = arith.constant 0 : i32
      %dma_wait3A_46 = tpu.memref_slice %arg4[%add3A_38, %dma_wait3A_45] : memref<6144x768xf32, #tpu.memory_space<hbm>> -> memref<64x768xf32, #tpu.memory_space<hbm>>
      tpu.wait_dma2 semaphore(%run_scoped3A : memref<!tpu.dma_semaphore, #tpu.memory_space<semaphore_mem>>) src(%arg6 : memref<64x768xf32, #tpu.memory_space<vmem>>) dst(%dma_wait3A_46 : memref<64x768xf32, #tpu.memory_space<hbm>>)
      tpu.yield
    }) : () -> ()
    return
  }
}

#map = affine_map<(d0, d1) -> (0, 0)>
#map1 = affine_map<(d0, d1) -> (0)>
module attributes {stable_mosaic.version = 14 : i64} {
  func.func @gather_kernel(%arg0: i32, %arg1: i32, %arg2: memref<100000x768xf32, #tpu.memory_space<hbm>>, %arg3: memref<8192xi32, #tpu.memory_space<hbm>>, %arg4: memref<2048x768xf32, #tpu.memory_space<hbm>>, %arg5: memref<64xi32, #tpu.memory_space<vmem>>, %arg6: memref<64x768xf32, #tpu.memory_space<vmem>>, %arg7: memref<64x768xf32, #tpu.memory_space<vmem>>, %arg8: memref<!tpu.dma_semaphore, #tpu.memory_space<semaphore_mem>>, %arg9: memref<!tpu.dma_semaphore, #tpu.memory_space<semaphore_mem>>) attributes {dimension_semantics = [#tpu.dimension_semantics<core_parallel>, #tpu.dimension_semantics<subcore_parallel>], iteration_bounds = array<i64: 2, 16>, scalar_prefetch = 0 : i64, scratch_operands = 5 : i64, tpu.core_type = #tpu.core_type<sc_vector_subcore>, window_params = [{transform_indices = #map}, {transform_indices = #map1}, {transform_indices = #map}]} {
    %mul3A = arith.constant 2 : i32
    %mul3A_0 = arith.muli %arg1, %mul3A : i32
    %add3A = arith.addi %mul3A_0, %arg0 : i32
    %mul3A_1 = arith.constant 64 : i32
    %mul3A_2 = arith.muli %add3A, %mul3A_1 : i32
    %add3A_3 = arith.constant 6144 : i32
    %add3A_4 = arith.addi %add3A_3, %mul3A_2 : i32
    "tpu.region"() ({
      %run_scoped3A = tpu.sem_alloc : memref<!tpu.dma_semaphore, #tpu.memory_space<semaphore_mem>>
      %dma_start3A_15 = tpu.memref_slice %arg3[%add3A_4] : memref<8192xi32, #tpu.memory_space<hbm>> -> memref<64xi32, #tpu.memory_space<hbm>>
      %dma_start3A_16 = tpu.memref_slice %arg3[%add3A_4] : memref<8192xi32, #tpu.memory_space<hbm>> -> memref<64xi32, #tpu.memory_space<hbm>>
      tpu.enqueue_dma source(%dma_start3A_16 : memref<64xi32, #tpu.memory_space<hbm>>) target(%arg5 : memref<64xi32, #tpu.memory_space<vmem>>) target_semaphore(%run_scoped3A : memref<!tpu.dma_semaphore, #tpu.memory_space<semaphore_mem>>)
      %dma_wait3A_17 = tpu.memref_slice %arg3[%add3A_4] : memref<8192xi32, #tpu.memory_space<hbm>> -> memref<64xi32, #tpu.memory_space<hbm>>
      %dma_wait3A_18 = tpu.memref_slice %arg3[%add3A_4] : memref<8192xi32, #tpu.memory_space<hbm>> -> memref<64xi32, #tpu.memory_space<hbm>>
      tpu.wait_dma2 semaphore(%run_scoped3A : memref<!tpu.dma_semaphore, #tpu.memory_space<semaphore_mem>>) src(%dma_wait3A_18 : memref<64xi32, #tpu.memory_space<hbm>>) dst(%arg5 : memref<64xi32, #tpu.memory_space<vmem>>)
      tpu.yield
    }) : () -> ()
    %dma_start3A = arith.constant 0 : i32
    %dma_start3A_5 = tpu.memref_slice %arg5[%dma_start3A] : memref<64xi32, #tpu.memory_space<vmem>> -> memref<64xi32, #tpu.memory_space<vmem>>
    %dma_start3A_6 = arith.constant 0 : i32
    %dma_start3A_7 = arith.constant 0 : i32
    %dma_start3A_8 = tpu.memref_slice %arg2[%dma_start3A_6, %dma_start3A_7] : memref<100000x768xf32, #tpu.memory_space<hbm>> -> memref<100000x768xf32, #tpu.memory_space<hbm>>
    tpu.enqueue_indirect_dma source(%dma_start3A_8 : memref<100000x768xf32, #tpu.memory_space<hbm>>) target(%arg6 : memref<64x768xf32, #tpu.memory_space<vmem>>) offsets(%dma_start3A_5 : memref<64xi32, #tpu.memory_space<vmem>>) semaphore(%arg8 : memref<!tpu.dma_semaphore, #tpu.memory_space<semaphore_mem>>)
    %dma_wait3A = arith.constant 0 : i32
    %dma_wait3A_9 = tpu.memref_slice %arg5[%dma_wait3A] : memref<64xi32, #tpu.memory_space<vmem>> -> memref<64xi32, #tpu.memory_space<vmem>>
    %dma_wait3A_10 = arith.constant 0 : i32
    %dma_wait3A_11 = arith.constant 0 : i32
    %dma_wait3A_12 = tpu.memref_slice %arg2[%dma_wait3A_10, %dma_wait3A_11] : memref<100000x768xf32, #tpu.memory_space<hbm>> -> memref<100000x768xf32, #tpu.memory_space<hbm>>
    tpu.wait_indirect_dma semaphore(%arg8 : memref<!tpu.dma_semaphore, #tpu.memory_space<semaphore_mem>>) src(%dma_wait3A_12 : memref<100000x768xf32, #tpu.memory_space<hbm>>) dst(%arg6 : memref<64x768xf32, #tpu.memory_space<vmem>>)
    %add3A_13 = arith.constant 0 : i32
    %add3A_14 = arith.addi %mul3A_2, %add3A_13 : i32
    "tpu.region"() ({
      %run_scoped3A = tpu.sem_alloc : memref<!tpu.dma_semaphore, #tpu.memory_space<semaphore_mem>>
      %dma_start3A_15 = arith.constant 0 : i32
      %dma_start3A_16 = tpu.memref_slice %arg4[%add3A_14, %dma_start3A_15] : memref<2048x768xf32, #tpu.memory_space<hbm>> -> memref<64x768xf32, #tpu.memory_space<hbm>>
      %dma_start3A_17 = arith.constant 0 : i32
      %dma_start3A_18 = tpu.memref_slice %arg4[%add3A_14, %dma_start3A_17] : memref<2048x768xf32, #tpu.memory_space<hbm>> -> memref<64x768xf32, #tpu.memory_space<hbm>>
      tpu.enqueue_dma source(%arg6 : memref<64x768xf32, #tpu.memory_space<vmem>>) target(%dma_start3A_18 : memref<64x768xf32, #tpu.memory_space<hbm>>) target_semaphore(%run_scoped3A : memref<!tpu.dma_semaphore, #tpu.memory_space<semaphore_mem>>)
      %dma_wait3A_19 = arith.constant 0 : i32
      %dma_wait3A_20 = tpu.memref_slice %arg4[%add3A_14, %dma_wait3A_19] : memref<2048x768xf32, #tpu.memory_space<hbm>> -> memref<64x768xf32, #tpu.memory_space<hbm>>
      %dma_wait3A_21 = arith.constant 0 : i32
      %dma_wait3A_22 = tpu.memref_slice %arg4[%add3A_14, %dma_wait3A_21] : memref<2048x768xf32, #tpu.memory_space<hbm>> -> memref<64x768xf32, #tpu.memory_space<hbm>>
      tpu.wait_dma2 semaphore(%run_scoped3A : memref<!tpu.dma_semaphore, #tpu.memory_space<semaphore_mem>>) src(%arg6 : memref<64x768xf32, #tpu.memory_space<vmem>>) dst(%dma_wait3A_22 : memref<64x768xf32, #tpu.memory_space<hbm>>)
      tpu.yield
    }) : () -> ()
    return
  }
}

module attributes {stable_mosaic.version = 14 : i64} {
  func.func @_fused_body(%arg0: i32, %arg1: i32, %arg2: memref<2048x768xf32, #tpu.memory_space<vmem>>, %arg3: memref<2048x1xi32, #tpu.memory_space<vmem>>, %arg4: memref<2048x768xf32, #tpu.memory_space<vmem>>, %arg5: memref<2x768xf32, #tpu.memory_space<vmem>>, %arg6: memref<1x768xf32, #tpu.memory_space<vmem>>, %arg7: memref<1x768xf32, #tpu.memory_space<vmem>>, %arg8: memref<8x128xf32, #tpu.memory_space<vmem>>, %arg9: memref<2048x768xf32, #tpu.memory_space<vmem>>) attributes {dimension_semantics = [#tpu.dimension_semantics<arbitrary>, #tpu.dimension_semantics<arbitrary>], iteration_bounds = array<i64: 1, 1>, scalar_prefetch = 0 : i64, scratch_operands = 0 : i64, tpu.core_type = #tpu.core_type<tc>, window_params = [{transform_indices = @transform_0, window_bounds = array<i64: 2048, 768>}, {transform_indices = @transform_1, window_bounds = array<i64: 2048, 1>}, {transform_indices = @transform_2, window_bounds = array<i64: 2048, 768>}, {pipeline_mode = #tpu.pipeline_mode<synchronous>, transform_indices = @transform_3, window_bounds = array<i64: 2, 768>}, {pipeline_mode = #tpu.pipeline_mode<synchronous>, transform_indices = @transform_4, window_bounds = array<i64: 1, 768>}, {pipeline_mode = #tpu.pipeline_mode<synchronous>, transform_indices = @transform_5, window_bounds = array<i64: 1, 768>}, {transform_indices = @transform_6, window_bounds = array<i64: 8, 128>}, {transform_indices = @transform_7, window_bounds = array<i64: 2048, 768>}]} {
    %get3A = arith.constant 0 : index
    %get3A_0 = arith.constant 0 : index
    %get3A_1 = vector.load %arg2[%get3A, %get3A_0] : memref<2048x768xf32, #tpu.memory_space<vmem>>, vector<2048x768xf32>
    %get3A_2 = arith.constant 0 : index
    %get3A_3 = arith.constant 0 : index
    %get3A_4 = vector.load %arg4[%get3A_2, %get3A_3] : memref<2048x768xf32, #tpu.memory_space<vmem>>, vector<2048x768xf32>
    %add3A = arith.addf %get3A_1, %get3A_4 : vector<2048x768xf32>
    %get3A_5 = arith.constant 0 : index
    %get3A_6 = arith.constant 0 : index
    %get3A_7 = vector.load %arg3[%get3A_5, %get3A_6] : memref<2048x1xi32, #tpu.memory_space<vmem>>, vector<2048x1xi32>
    %eq3A = arith.constant 0 : i32
    %eq3A_8 = vector.broadcast %eq3A : i32 to vector<2048x1xi32>
    %eq3A_9 = arith.cmpi eq, %get3A_7, %eq3A_8 : vector<2048x1xi32>
    %get3A_10 = arith.constant 0 : index
    %get3A_11 = arith.constant 0 : index
    %get3A_12 = vector.load %arg5[%get3A_10, %get3A_11] : memref<2x768xf32, #tpu.memory_space<vmem>>, vector<1x768xf32>
    %get3A_13 = arith.constant 1 : index
    %get3A_14 = arith.constant 0 : index
    %get3A_15 = vector.load %arg5[%get3A_13, %get3A_14] : memref<2x768xf32, #tpu.memory_space<vmem>>, vector<1x768xf32>
    %broadcast_in_dim3A = vector.shape_cast %eq3A_9 : vector<2048x1xi1> to vector<2048x1xi1>
    %broadcast_in_dim3A_16 = vector.broadcast %broadcast_in_dim3A : vector<2048x1xi1> to vector<2048x768xi1>
    %broadcast_in_dim3A_17 = vector.shape_cast %get3A_12 : vector<1x768xf32> to vector<1x768xf32>
    %broadcast_in_dim3A_18 = vector.broadcast %broadcast_in_dim3A_17 : vector<1x768xf32> to vector<2048x768xf32>
    %broadcast_in_dim3A_19 = vector.shape_cast %get3A_15 : vector<1x768xf32> to vector<1x768xf32>
    %broadcast_in_dim3A_20 = vector.broadcast %broadcast_in_dim3A_19 : vector<1x768xf32> to vector<2048x768xf32>
    %select_n3A = arith.select %broadcast_in_dim3A_16, %broadcast_in_dim3A_18, %broadcast_in_dim3A_20 : vector<2048x768xi1>, vector<2048x768xf32>
    %add3A_21 = arith.addf %add3A, %select_n3A : vector<2048x768xf32>
    %reduce_sum3A = arith.constant dense<0.000000e+00> : vector<2048xf32>
    %reduce_sum3A_22 = vector.multi_reduction <add>, %add3A_21, %reduce_sum3A [1] : vector<2048x768xf32> to vector<2048xf32>
    %broadcast_in_dim3A_23 = vector.shape_cast %reduce_sum3A_22 : vector<2048xf32> to vector<2048x1xf32>
    %div3A = arith.constant 7.680000e+02 : f32
    %div3A_24 = vector.broadcast %div3A : f32 to vector<2048x1xf32>
    %div3A_25 = arith.divf %broadcast_in_dim3A_23, %div3A_24 : vector<2048x1xf32>
    %sub3A = vector.broadcast %div3A_25 : vector<2048x1xf32> to vector<2048x768xf32>
    %sub3A_26 = arith.subf %add3A_21, %sub3A : vector<2048x768xf32>
    %mul3A = arith.mulf %sub3A_26, %sub3A_26 : vector<2048x768xf32>
    %reduce_sum3A_27 = arith.constant dense<0.000000e+00> : vector<2048xf32>
    %reduce_sum3A_28 = vector.multi_reduction <add>, %mul3A, %reduce_sum3A_27 [1] : vector<2048x768xf32> to vector<2048xf32>
    %broadcast_in_dim3A_29 = vector.shape_cast %reduce_sum3A_28 : vector<2048xf32> to vector<2048x1xf32>
    %div3A_30 = arith.constant 7.680000e+02 : f32
    %div3A_31 = vector.broadcast %div3A_30 : f32 to vector<2048x1xf32>
    %div3A_32 = arith.divf %broadcast_in_dim3A_29, %div3A_31 : vector<2048x1xf32>
    %add3A_33 = arith.constant 9.99999996E-13 : f32
    %add3A_34 = vector.broadcast %add3A_33 : f32 to vector<2048x1xf32>
    %add3A_35 = arith.addf %div3A_32, %add3A_34 : vector<2048x1xf32>
    %rsqrt3A = math.rsqrt %add3A_35 : vector<2048x1xf32>
    %mul3A_36 = vector.broadcast %rsqrt3A : vector<2048x1xf32> to vector<2048x768xf32>
    %mul3A_37 = arith.mulf %sub3A_26, %mul3A_36 : vector<2048x768xf32>
    %get3A_38 = arith.constant 0 : index
    %get3A_39 = arith.constant 0 : index
    %get3A_40 = vector.load %arg6[%get3A_38, %get3A_39] : memref<1x768xf32, #tpu.memory_space<vmem>>, vector<1x768xf32>
    %mul3A_41 = vector.broadcast %get3A_40 : vector<1x768xf32> to vector<2048x768xf32>
    %mul3A_42 = arith.mulf %mul3A_37, %mul3A_41 : vector<2048x768xf32>
    %get3A_43 = arith.constant 0 : index
    %get3A_44 = arith.constant 0 : index
    %get3A_45 = vector.load %arg7[%get3A_43, %get3A_44] : memref<1x768xf32, #tpu.memory_space<vmem>>, vector<1x768xf32>
    %add3A_46 = vector.broadcast %get3A_45 : vector<1x768xf32> to vector<2048x768xf32>
    %add3A_47 = arith.addf %mul3A_42, %add3A_46 : vector<2048x768xf32>
    %swap3A = arith.constant 0 : index
    %swap3A_48 = arith.constant 0 : index
    %swap3A_49 = vector.load %arg9[%swap3A, %swap3A_48] : memref<2048x768xf32, #tpu.memory_space<vmem>>, vector<2048x768xf32>
    tpu.vector_store %arg9[%swap3A, %swap3A_48], %add3A_47 {strides = array<i32>} : memref<2048x768xf32, #tpu.memory_space<vmem>>, vector<2048x768xf32>,
    return
  }
  func.func @transform_0(%arg0: i32, %arg1: i32) -> (i32, i32) {
    %mul3A = arith.constant 1 : i32
    %mul3A_0 = arith.muli %arg1, %mul3A : i32
    %add3A = arith.addi %mul3A_0, %arg0 : i32
    %c0_i32 = arith.constant 0 : i32
    %c0_i32_1 = arith.constant 0 : i32
    return %add3A, %c0_i32 : i32, i32
  }
  func.func @transform_1(%arg0: i32, %arg1: i32) -> (i32, i32) {
    %add3A = arith.constant 3 : i32
    %add3A_0 = arith.addi %add3A, %arg1 : i32
    %mul3A = arith.constant 1 : i32
    %mul3A_1 = arith.muli %add3A_0, %mul3A : i32
    %add3A_2 = arith.addi %mul3A_1, %arg0 : i32
    %c0_i32 = arith.constant 0 : i32
    %c0_i32_3 = arith.constant 0 : i32
    return %add3A_2, %c0_i32 : i32, i32
  }
  func.func @transform_2(%arg0: i32, %arg1: i32) -> (i32, i32) {
    %c0_i32 = arith.constant 0 : i32
    %c0_i32_0 = arith.constant 0 : i32
    return %arg0, %c0_i32 : i32, i32
  }
  func.func @transform_3(%arg0: i32, %arg1: i32) -> (i32, i32) {
    %c0_i32 = arith.constant 0 : i32
    %c0_i32_0 = arith.constant 0 : i32
    %c0_i32_1 = arith.constant 0 : i32
    return %c0_i32, %c0_i32_0 : i32, i32
  }
  func.func @transform_4(%arg0: i32, %arg1: i32) -> (i32, i32) {
    %c0_i32 = arith.constant 0 : i32
    %c0_i32_0 = arith.constant 0 : i32
    %c0_i32_1 = arith.constant 0 : i32
    return %c0_i32, %c0_i32_0 : i32, i32
  }
  func.func @transform_5(%arg0: i32, %arg1: i32) -> (i32, i32) {
    %c0_i32 = arith.constant 0 : i32
    %c0_i32_0 = arith.constant 0 : i32
    %c0_i32_1 = arith.constant 0 : i32
    return %c0_i32, %c0_i32_0 : i32, i32
  }
  func.func @transform_6(%arg0: i32, %arg1: i32) -> (i32, i32) {
    %c0_i32 = arith.constant 0 : i32
    %c0_i32_0 = arith.constant 0 : i32
    %c0_i32_1 = arith.constant 0 : i32
    return %c0_i32, %c0_i32_0 : i32, i32
  }
  func.func @transform_7(%arg0: i32, %arg1: i32) -> (i32, i32) {
    %add3A = arith.constant 3 : i32
    %add3A_0 = arith.addi %add3A, %arg1 : i32
    %mul3A = arith.constant 1 : i32
    %mul3A_1 = arith.muli %add3A_0, %mul3A : i32
    %add3A_2 = arith.addi %mul3A_1, %arg0 : i32
    %c0_i32 = arith.constant 0 : i32
    %c0_i32_3 = arith.constant 0 : i32
    return %add3A_2, %c0_i32 : i32, i32
  }
}

module attributes {stable_mosaic.version = 14 : i64} {
  func.func @_fused_body(%arg0: i32, %arg1: i32, %arg2: memref<2048x768xf32, #tpu.memory_space<vmem>>, %arg3: memref<2048x1xi32, #tpu.memory_space<vmem>>, %arg4: memref<2048x768xf32, #tpu.memory_space<vmem>>, %arg5: memref<2x768xf32, #tpu.memory_space<vmem>>, %arg6: memref<1x768xf32, #tpu.memory_space<vmem>>, %arg7: memref<1x768xf32, #tpu.memory_space<vmem>>, %arg8: memref<2048x768xf32, #tpu.memory_space<vmem>>) attributes {dimension_semantics = [#tpu.dimension_semantics<arbitrary>, #tpu.dimension_semantics<arbitrary>], iteration_bounds = array<i64: 1, 3>, scalar_prefetch = 0 : i64, scratch_operands = 0 : i64, tpu.core_type = #tpu.core_type<tc>, window_params = [{transform_indices = @transform_0, window_bounds = array<i64: 2048, 768>}, {transform_indices = @transform_1, window_bounds = array<i64: 2048, 1>}, {transform_indices = @transform_2, window_bounds = array<i64: 2048, 768>}, {pipeline_mode = #tpu.pipeline_mode<synchronous>, transform_indices = @transform_3, window_bounds = array<i64: 2, 768>}, {pipeline_mode = #tpu.pipeline_mode<synchronous>, transform_indices = @transform_4, window_bounds = array<i64: 1, 768>}, {pipeline_mode = #tpu.pipeline_mode<synchronous>, transform_indices = @transform_5, window_bounds = array<i64: 1, 768>}, {transform_indices = @transform_6, window_bounds = array<i64: 2048, 768>}]} {
    %get3A = arith.constant 0 : index
    %get3A_0 = arith.constant 0 : index
    %get3A_1 = vector.load %arg2[%get3A, %get3A_0] : memref<2048x768xf32, #tpu.memory_space<vmem>>, vector<2048x768xf32>
    %get3A_2 = arith.constant 0 : index
    %get3A_3 = arith.constant 0 : index
    %get3A_4 = vector.load %arg4[%get3A_2, %get3A_3] : memref<2048x768xf32, #tpu.memory_space<vmem>>, vector<2048x768xf32>
    %add3A = arith.addf %get3A_1, %get3A_4 : vector<2048x768xf32>
    %get3A_5 = arith.constant 0 : index
    %get3A_6 = arith.constant 0 : index
    %get3A_7 = vector.load %arg3[%get3A_5, %get3A_6] : memref<2048x1xi32, #tpu.memory_space<vmem>>, vector<2048x1xi32>
    %eq3A = arith.constant 0 : i32
    %eq3A_8 = vector.broadcast %eq3A : i32 to vector<2048x1xi32>
    %eq3A_9 = arith.cmpi eq, %get3A_7, %eq3A_8 : vector<2048x1xi32>
    %get3A_10 = arith.constant 0 : index
    %get3A_11 = arith.constant 0 : index
    %get3A_12 = vector.load %arg5[%get3A_10, %get3A_11] : memref<2x768xf32, #tpu.memory_space<vmem>>, vector<1x768xf32>
    %get3A_13 = arith.constant 1 : index
    %get3A_14 = arith.constant 0 : index
    %get3A_15 = vector.load %arg5[%get3A_13, %get3A_14] : memref<2x768xf32, #tpu.memory_space<vmem>>, vector<1x768xf32>
    %broadcast_in_dim3A = vector.shape_cast %eq3A_9 : vector<2048x1xi1> to vector<2048x1xi1>
    %broadcast_in_dim3A_16 = vector.broadcast %broadcast_in_dim3A : vector<2048x1xi1> to vector<2048x768xi1>
    %broadcast_in_dim3A_17 = vector.shape_cast %get3A_12 : vector<1x768xf32> to vector<1x768xf32>
    %broadcast_in_dim3A_18 = vector.broadcast %broadcast_in_dim3A_17 : vector<1x768xf32> to vector<2048x768xf32>
    %broadcast_in_dim3A_19 = vector.shape_cast %get3A_15 : vector<1x768xf32> to vector<1x768xf32>
    %broadcast_in_dim3A_20 = vector.broadcast %broadcast_in_dim3A_19 : vector<1x768xf32> to vector<2048x768xf32>
    %select_n3A = arith.select %broadcast_in_dim3A_16, %broadcast_in_dim3A_18, %broadcast_in_dim3A_20 : vector<2048x768xi1>, vector<2048x768xf32>
    %add3A_21 = arith.addf %add3A, %select_n3A : vector<2048x768xf32>
    %reduce_sum3A = arith.constant dense<0.000000e+00> : vector<2048xf32>
    %reduce_sum3A_22 = vector.multi_reduction <add>, %add3A_21, %reduce_sum3A [1] : vector<2048x768xf32> to vector<2048xf32>
    %broadcast_in_dim3A_23 = vector.shape_cast %reduce_sum3A_22 : vector<2048xf32> to vector<2048x1xf32>
    %div3A = arith.constant 7.680000e+02 : f32
    %div3A_24 = vector.broadcast %div3A : f32 to vector<2048x1xf32>
    %div3A_25 = arith.divf %broadcast_in_dim3A_23, %div3A_24 : vector<2048x1xf32>
    %sub3A = vector.broadcast %div3A_25 : vector<2048x1xf32> to vector<2048x768xf32>
    %sub3A_26 = arith.subf %add3A_21, %sub3A : vector<2048x768xf32>
    %mul3A = arith.mulf %sub3A_26, %sub3A_26 : vector<2048x768xf32>
    %reduce_sum3A_27 = arith.constant dense<0.000000e+00> : vector<2048xf32>
    %reduce_sum3A_28 = vector.multi_reduction <add>, %mul3A, %reduce_sum3A_27 [1] : vector<2048x768xf32> to vector<2048xf32>
    %broadcast_in_dim3A_29 = vector.shape_cast %reduce_sum3A_28 : vector<2048xf32> to vector<2048x1xf32>
    %div3A_30 = arith.constant 7.680000e+02 : f32
    %div3A_31 = vector.broadcast %div3A_30 : f32 to vector<2048x1xf32>
    %div3A_32 = arith.divf %broadcast_in_dim3A_29, %div3A_31 : vector<2048x1xf32>
    %add3A_33 = arith.constant 9.99999996E-13 : f32
    %add3A_34 = vector.broadcast %add3A_33 : f32 to vector<2048x1xf32>
    %add3A_35 = arith.addf %div3A_32, %add3A_34 : vector<2048x1xf32>
    %rsqrt3A = math.rsqrt %add3A_35 : vector<2048x1xf32>
    %mul3A_36 = vector.broadcast %rsqrt3A : vector<2048x1xf32> to vector<2048x768xf32>
    %mul3A_37 = arith.mulf %sub3A_26, %mul3A_36 : vector<2048x768xf32>
    %get3A_38 = arith.constant 0 : index
    %get3A_39 = arith.constant 0 : index
    %get3A_40 = vector.load %arg6[%get3A_38, %get3A_39] : memref<1x768xf32, #tpu.memory_space<vmem>>, vector<1x768xf32>
    %mul3A_41 = vector.broadcast %get3A_40 : vector<1x768xf32> to vector<2048x768xf32>
    %mul3A_42 = arith.mulf %mul3A_37, %mul3A_41 : vector<2048x768xf32>
    %get3A_43 = arith.constant 0 : index
    %get3A_44 = arith.constant 0 : index
    %get3A_45 = vector.load %arg7[%get3A_43, %get3A_44] : memref<1x768xf32, #tpu.memory_space<vmem>>, vector<1x768xf32>
    %add3A_46 = vector.broadcast %get3A_45 : vector<1x768xf32> to vector<2048x768xf32>
    %add3A_47 = arith.addf %mul3A_42, %add3A_46 : vector<2048x768xf32>
    %swap3A = arith.constant 0 : index
    %swap3A_48 = arith.constant 0 : index
    %swap3A_49 = vector.load %arg8[%swap3A, %swap3A_48] : memref<2048x768xf32, #tpu.memory_space<vmem>>, vector<2048x768xf32>
    tpu.vector_store %arg8[%swap3A, %swap3A_48], %add3A_47 {strides = array<i32>} : memref<2048x768xf32, #tpu.memory_space<vmem>>, vector<2048x768xf32>,
    return
  }
  func.func @transform_0(%arg0: i32, %arg1: i32) -> (i32, i32) {
    %mul3A = arith.constant 1 : i32
    %mul3A_0 = arith.muli %arg1, %mul3A : i32
    %add3A = arith.addi %mul3A_0, %arg0 : i32
    %c0_i32 = arith.constant 0 : i32
    %c0_i32_1 = arith.constant 0 : i32
    return %add3A, %c0_i32 : i32, i32
  }
  func.func @transform_1(%arg0: i32, %arg1: i32) -> (i32, i32) {
    %add3A = arith.constant 0 : i32
    %add3A_0 = arith.addi %add3A, %arg1 : i32
    %mul3A = arith.constant 1 : i32
    %mul3A_1 = arith.muli %add3A_0, %mul3A : i32
    %add3A_2 = arith.addi %mul3A_1, %arg0 : i32
    %c0_i32 = arith.constant 0 : i32
    %c0_i32_3 = arith.constant 0 : i32
    return %add3A_2, %c0_i32 : i32, i32
  }
  func.func @transform_2(%arg0: i32, %arg1: i32) -> (i32, i32) {
    %c0_i32 = arith.constant 0 : i32
    %c0_i32_0 = arith.constant 0 : i32
    return %arg0, %c0_i32 : i32, i32
  }
  func.func @transform_3(%arg0: i32, %arg1: i32) -> (i32, i32) {
    %c0_i32 = arith.constant 0 : i32
    %c0_i32_0 = arith.constant 0 : i32
    %c0_i32_1 = arith.constant 0 : i32
    return %c0_i32, %c0_i32_0 : i32, i32
  }
  func.func @transform_4(%arg0: i32, %arg1: i32) -> (i32, i32) {
    %c0_i32 = arith.constant 0 : i32
    %c0_i32_0 = arith.constant 0 : i32
    %c0_i32_1 = arith.constant 0 : i32
    return %c0_i32, %c0_i32_0 : i32, i32
  }
  func.func @transform_5(%arg0: i32, %arg1: i32) -> (i32, i32) {
    %c0_i32 = arith.constant 0 : i32
    %c0_i32_0 = arith.constant 0 : i32
    %c0_i32_1 = arith.constant 0 : i32
    return %c0_i32, %c0_i32_0 : i32, i32
  }
  func.func @transform_6(%arg0: i32, %arg1: i32) -> (i32, i32) {
    %add3A = arith.constant 0 : i32
    %add3A_0 = arith.addi %add3A, %arg1 : i32
    %mul3A = arith.constant 1 : i32
    %mul3A_1 = arith.muli %add3A_0, %mul3A : i32
    %add3A_2 = arith.addi %mul3A_1, %arg0 : i32
    %c0_i32 = arith.constant 0 : i32
    %c0_i32_3 = arith.constant 0 : i32
    return %add3A_2, %c0_i32 : i32, i32
  }
}

</mosaic_0001>

<sc_bundles>
// kernel: kernel.6.cloned.1.call-start
scs
__scs_entry_jumppad:
0x0: {  	(pc) =	sbr.rel $0x88, $3  }
0x1: {  	(tag) =	ssettag $0x0;
	lr =	simm.s32 $0x1  }
0x2: {  	[smem:$0x3F9A] =	sst lr;
	_ =	strace $0xD0000000  }
0x3: {  	_ = 	snop  }
0x4: {  	_ = 	snop  }
0x5: {  	_ = 	snop  }
0x6: {  	_ = 	snop  }
0x7: {  	_ = 	snop  }
__scs_overlays_trampoline_lowered:
0x8: {  	[smem:$0x3FA9] =	sst s0  }
0x9: {  	[smem:$0x3FAA] =	sst s1  }
0xa: {  	[smem:$0x3FAB] =	sst s2  }
0xb: {  	[smem:$0x3FAC] =	sst s3  }
0xc: {  	[smem:$0x3FAD] =	sst s4  }
0xd: {  	[smem:$0x3FAE] =	sst s5  }
0xe: {  	[smem:$0x3FAF] =	sst s6  }
0xf: {  	[smem:$0x3FB0] =	sst s7  }
0x10: {  	[smem:$0x3FB1] =	sst s8  }
0x11: {  	[smem:$0x3FB2] =	sst s9;
	s0 =	simm.s32 @!p0 $0x0  }
0x12: {  	s1 =	sld [smem:$0x3F98];
	s0 =	simm.s32 @p0 $0x1  }
0x13: {  	[smem:$0x3FB3] =	sst s0;
	s0 =	simm.s32 @!p1 $0x0  }
0x14: {  	s2 =	sld [smem:$0x3F97];
	s0 =	simm.s32 @p1 $0x1  }
0x15: {  	[smem:$0x3FB4] =	sst s0;
	s0 =	simm.s32 @!p2 $0x0  }
0x16: {  	s3 =	sld [smem:$0x3FDB];
	s0 =	simm.s32 @p2 $0x1  }
0x17: {  	s4 =	simm.s32 $0x1BF5;
	[smem:$0x3FB6] =	sst s0  }
0x18: {  	s0 =	sld [smem:$0x3F99];
	_ =	swait.ge [sflag:s4], $0x0  }
0x19: {  	s7 =	sld [smem:$0x3F9A]  }
0x1a: {  	s8 =	sadd.s32 $0xFFFFE003, lr  }
0x1b: {  	s9 =	sadd.s32 $0xFFFFFEF7, lr;
	s5 =	simm.s32 $0xFFFFFFFF;
	p2 =	slt.u32 s8, $0xFFFFF086  }
0x1c: {  	p1 =	slt.u32 s9, $0xF7A;
	s5 =	simm.s32 @!p2 $0x0  }
0x1d: {  	s5 =	simm.s32 @p1 $0x1;
	p0 =	seq.s32 s7, s2  }
0x1e: {  	s7 =	smul.u32 @!p0 $0xF7A, s2;
	p2 =	seq.s32 @!p0 s5, $0x0  }
0x1f: {  	s9 =	smul.u32 $0xF7A, s1;
	s8 =	simm.s32 @!p0 $0x1BF5;
	p2 =	por !p2, p0  }
0x20: {  	[sflag:s8] =	ssyncset.s32 @!p0 $0xFFFFF086;
	s6 =	sadd.s32 @!p0 s3, s7;
	s7 =	simm.s32 @!p0 $0x108  }
0x21: {  	s3 =	sadd.s32 s3, s9;
	s6 =	sadd.s32 @!p0 $0x88, s6;
	s7 =	simm.s32 @p2 $0x1082  }
0x22: {  	[simem:s7], [sflag:s8] =	dma.local @!p0 [hbm:s6], $0xF7A  }
0x23: {  	s9 =	sor.u32 $0xD0000000, s2;
	s6 =	simm.s32 $0x108;
	_ =	swait.ge @!p0 [sflag:s8], $0x0  }
0x24: {  	s3 =	sadd.s32 $0x88, s3;
	s6 =	simm.s32 @!p1 $0x1082;
	[sflag:s4] =	ssyncset.s32 $0xFFFFF086  }
0x25: {  	[simem:s6], [sflag:s4] =	dma.local [hbm:s3], $0xF7A  }
0x26: {  	[smem:$0x3F9A] =	sst s1;
	(tag) =	ssettag s2;
	_ =	strace s9  }
0x27: {  	s1 =	sld [smem:$0x3FAA]  }
0x28: {  	s2 =	sld [smem:$0x3FAB]  }
0x29: {  	s4 =	sld [smem:$0x3FAD]  }
0x2a: {  	p0 =	seq.s32 s5, $0x0;
	s5 =	sld [smem:$0x3FAE]  }
0x2b: {  	s6 =	sld [smem:$0x3FAF]  }
0x2c: {  	s7 =	sld [smem:$0x3FB0]  }
0x2d: {  	s3 =	simm.s32 $0x108;
	s8 =	sld [smem:$0x3FB1]  }
0x2e: {  	s3 =	simm.s32 @!p0 $0x1082;
	s9 =	sld [smem:$0x3FB2]  }
0x2f: {  	lr =	sadd.s32 s0, s3;
	s0 =	sld [smem:$0x3FA9]  }
0x30: {  	s3 =	sld [smem:$0x3FAC]  }
0x31: {  	[smem:$0x3FB5] =	sst s10  }
0x32: {  	s10 =	sld [smem:$0x3FB3];
	_ =	sdelay $0x3  }
0x33: {  	p0 =	seq.s32 s10, $0x1;
	s10 =	sld [smem:$0x3FB5];
	_ =	sdelay $0x3  }
0x34: {  	[smem:$0x3FB5] =	sst s10  }
0x35: {  	s10 =	sld [smem:$0x3FB4];
	_ =	sdelay $0x3  }
0x36: {  	p1 =	seq.s32 s10, $0x1;
	s10 =	sld [smem:$0x3FB5];
	_ =	sdelay $0x3  }
0x37: {  	[smem:$0x3FB5] =	sst s10  }
0x38: {  	s10 =	sld [smem:$0x3FB6]  }
0x39: {  	_ = 	snop;
	(pc) =	sbr.ind lr, $3  }
0x3a: {  	_ = 	snop  }
0x3b: {  	_ = 	snop  }
0x3c: {  	p2 =	seq.s32 s10, $0x1;
	s10 =	sld [smem:$0x3FB5]  }
0x3d: {  	_ =	shalt  }
0x3e: {  	_ =	shalt  }
0x3f: {  	_ =	shalt  }
0x40: {  	_ =	shalt  }
0x41: {  	_ =	shalt  }
0x42: {  	_ =	shalt  }
0x43: {  	_ =	shalt  }
0x44: {  	_ =	shalt  }
0x45: {  	_ =	shalt  }
0x46: {  	_ =	shalt  }
0x47: {  	_ =	shalt  }
0x48: {  	_ =	shalt  }
0x49: {  	_ =	shalt  }
0x4a: {  	_ =	shalt  }
0x4b: {  	_ =	shalt  }
0x4c: {  	_ =	shalt  }
0x4d: {  	_ =	shalt  }
0x4e: {  	_ =	shalt  }
0x4f: {  	_ =	shalt  }
0x50: {  	_ =	shalt  }
0x51: {  	_ =	shalt  }
0x52: {  	_ =	shalt  }
0x53: {  	_ =	shalt  }
0x54: {  	_ =	shalt  }
0x55: {  	_ =	shalt  }
0x56: {  	_ =	shalt  }
0x57: {  	_ =	shalt  }
0x58: {  	_ =	shalt  }
0x59: {  	_ =	shalt  }
0x5a: {  	_ =	shalt  }
0x5b: {  	_ =	shalt  }
0x5c: {  	_ =	shalt  }
0x5d: {  	_ =	shalt  }
0x5e: {  	_ =	shalt  }
0x5f: {  	_ =	shalt  }
0x60: {  	_ =	shalt  }
0x61: {  	_ =	shalt  }
0x62: {  	_ =	shalt  }
0x63: {  	_ =	shalt  }
0x64: {  	_ =	shalt  }
0x65: {  	_ =	shalt  }
0x66: {  	_ =	shalt  }
0x67: {  	_ =	shalt  }
0x68: {  	_ =	shalt  }
0x69: {  	_ =	shalt  }
0x6a: {  	_ =	shalt  }
0x6b: {  	_ =	shalt  }
0x6c: {  	_ =	shalt  }
0x6d: {  	_ =	shalt  }
0x6e: {  	_ =	shalt  }
0x6f: {  	_ =	shalt  }
0x70: {  	_ =	shalt  }
0x71: {  	_ =	shalt  }
0x72: {  	_ =	shalt  }
0x73: {  	_ =	shalt  }
0x74: {  	_ =	shalt  }
0x75: {  	_ =	shalt  }
0x76: {  	_ =	shalt  }
0x77: {  	_ =	shalt  }
0x78: {  	_ =	shalt  }
0x79: {  	_ =	shalt  }
0x7a: {  	_ =	shalt  }
0x7b: {  	_ =	shalt  }
0x7c: {  	_ =	shalt  }
0x7d: {  	_ =	shalt  }
0x7e: {  	_ =	shalt  }
0x7f: {  	_ =	shalt  }
0x80: {  	_ =	shalt  }
0x81: {  	_ =	shalt  }
0x82: {  	_ =	shalt  }
0x83: {  	_ =	shalt  }
0x84: {  	_ =	shalt  }
0x85: {  	_ =	shalt  }
0x86: {  	_ =	shalt  }
0x87: {  	_ =	shalt  }
.Lfunc_end0:
.L_simem_size_0:
called_computation_lowered:
.L_overlay_start_0:
0x88: {  	s2 =	sld [smem:$0x3FD9]  }
0x89: {  	s3 =	sld [smem:$0x3FFE];
	_ =	sdelay $0x1  }
0x8a: {  	s1 =	srdreg.scid  }
0x8b: {  	s0 =	sand.u32 $0x1, s1  }
0x8c: {  	s17 =	sshll.u32 s0, $0xA;
	s2 =	sadd.s32 s3, s2  }
0x8d: {  	s2 =	sadd.s32 s2, s17  }
0x8e: {  	[smem:$0x3FC1] =	sst s2  }
0x8f: {  	_ = 	snop  }
0x90: {  	s2 =	sld [smem:$0x3FC7];
	(tm) =	ssettm $0x1  }
0x91: {  	s18 =	sld [smem:$0x3FFB];
	_ =	sdelay $0x3  }
0x92: {  	_ =	strace s18  }
0x93: {  	s3 =	sld [smem:$0x3FFC];
	_ =	sdelay $0x3  }
0x94: {  	_ =	strace s3  }
0x95: {  	s3 =	sld [smem:$0x3FFD];
	_ =	sdelay $0x3  }
0x96: {  	_ =	strace s3  }
0x97: {  	_ =	strace $0x8FFFFFFF  }
0x98: {  	s19 =	sld [smem:$0x3FDB];
	_ =	sdelay $0x1  }
0x99: {  	s4 =	simm.s32 $_scs_section_size  }
0x9a: {  	s5 =	simm.s32 $_size__tile_overlayer_lowered;
	s6 =	simm.s32 $_tile_overlayer_lowered  }
0x9b: {  	s22 =	simm.s32 $0x1BFF;
	s21 =	sshll.u32 s6, $0x1;
	s3 =	sadd.s32 s4, s19  }
0x9c: {  	s7 =	simm.s32 $0x0;
	s20 =	sshll.u32 s5, $0x1;
	s5 =	sadd.s32 s21, s3  }
0x9d: {  	[timem:s7], [sflag:s22] =	dma.local [hbm:s5], s20  }
0x9e: {  	_ =	swait.ge [sflag:s22], s20  }
0x9f: {  	s4 =	ssub.s32 $0x0, s20;
	[sflag:s22] =	ssyncset.done $0x0  }
0xa0: {  	[sflag:s22] =	ssyncadd.s32 s4;
	_ =	sdelay $0x1  }
0xa1: {  	s23 =	simm.s32 $0x1B8B  }
0xa2: {  	_ =	swait.ge [sflag:s23], $0x1  }
0xa3: {  	[sflag:s23] =	ssyncset.done $0x0  }
0xa4: {  	s25 =	simm.s32 $0x1B8E;
	s24 =	sld [smem:$0x3FFE];
	[sflag:s23] =	ssyncadd.s32 $0xFFFFFFFF  }
0xa5: {  	s26 =	simm.s32 $execute0_lowered;
	[smem:$0x3FD2] =	sst s25  }
0xa6: {  	s5 =	sshll.u32 s26, $0x1;
	_ =	strace $0x80000046;
	[dreg:$0x1] =	wrdreg $0xFFFFFFFF  }
0xa7: {  	s28 =	simm.s32 $_size_execute0_lowered;
	s3 =	sadd.s32 s3, s5;
	[dreg:$0x0] =	wrdreg $0x0  }
0xa8: {  	s5 =	sshll.u32 s28, $0x1;
	[dreg:$0x2] =	wrdreg s3  }
0xa9: {  	[dreg:$0x3] =	wrdreg s5  }
0xaa: {  	[dreg:$0x4] =	wrdreg $0xC0  }
0xab: {  	_ =	task [dreg:s7], $0x5FFFF  }
0xac: {  	[dreg:$0x1] =	wrdreg $0xFFFFFFFF  }
0xad: {  	[dreg:$0x0] =	wrdreg $0x60  }
0xae: {  	[dreg:$0x2] =	wrdreg s2  }
0xaf: {  	[dreg:$0x3] =	wrdreg s24  }
0xb0: {  	[dreg:$0x4] =	wrdreg $0x9  }
0xb1: {  	_ =	task.clear_ibuf [dreg:s7], $0x5FFFF;
	_ =	strace $0x90000046  }
0xb2: {  	s29 =	simm.s32 $0x9;
	_ =	strace $0x80000048  }
0xb3: {  	_ =	swait.ge [sflag:s29], $0x1  }
0xb4: {  	[sflag:s29] =	ssyncadd.s32 $0xFFFFFFFF  }
0xb5: {  	_ =	strace $0x90000048  }
0xb6: {  	_ =	sfence  }
0xb7: {  	s30 =	sld [smem:$0x0];
	_ =	sdelay $0x2  }
0xb8: {  	s31 =	sshll.u32 s1, $0xD;
	s1 =	sshrl.u32 s1, $0x2  }
0xb9: {  	s3 =	sand.u32 $0x4000, s31;
	s1 =	sadd.s32 s1, s30  }
0xba: {  	s0 =	sor.u32 s3, s0;
	s1 =	sshll.u32 s1, $0x11  }
0xbb: {  	s0 =	sor.u32 s1, s0  }
0xbc: {  	s0 =	sadd.s32 $0x8F2B, s0  }
0xbd: {  	[sflag:s0] =	ssyncadd.remote.s32 $0x1  }
0xbe: {  	_ =	sfence.sel $0xFFFF  }
0xbf: {  	[dreg:$0x0] =	wrdreg $0xFFFFFFFF;
	(pc) =	sbr.abs _section_cstart, $3  }
0xc0: {  	[dreg:$0x1] =	wrdreg $0xFFFFFFFF  }
0xc1: {  	_ =	task.clear_ibuf [dreg:s7], $0x2FFFF;
	_ =	strace $0x9FFFFFFF  }
0xc2: {  	(tm) =	ssettm $0x7FFFFFFF  }
0xc3: {  	_ =	shalt  }
tec
execute0_lowered:
.L_overlay_start_1:
0x0: {  	(tag) =	ssettag $0x1  }
0x1: {  	s2 =	rddreg [dreg:$0x0]  }
0x2: {  	s4 =	rddreg [dreg:$0x1];
	s3 =	simm.s32 $0x0  }
0x3: {  	s25 =	simm.s32 $0xC900;
	[smem:$0x7FF] =	sst s3  }
0x4: {  	s6 =	simm.s32 $0xD900;
	_ =	strace $0x80000047;
	[dreg:$0x7] =	wrdreg s25  }
0x5: {  	s7 =	simm.s32 $0xE100;
	[dreg:$0x9] =	wrdreg s6  }
0x6: {  	s8 =	simm.s32 $0xE900;
	[dreg:$0xa] =	wrdreg s7  }
0x7: {  	s9 =	simm.s32 $0xF100;
	[dreg:$0xb] =	wrdreg s8  }
0x8: {  	s10 =	simm.s32 $0xF900;
	[dreg:$0xc] =	wrdreg s9  }
0x9: {  	s0 =	srdreg.scid;
	s11 =	simm.s32 $0x10100;
	[dreg:$0xd] =	wrdreg s10  }
0xa: {  	s1 =	stileid.u32;
	s12 =	simm.s32 $0x10900;
	[dreg:$0xe] =	wrdreg s11  }
0xb: {  	s13 =	simm.s32 $0x11100;
	s14 =	simm.s32 $0x11900;
	[dreg:$0xf] =	wrdreg s12  }
0xc: {  	s15 =	simm.s32 $0x12100;
	s16 =	simm.s32 $0x12900;
	[dreg:$0x10] =	wrdreg s13  }
0xd: {  	s17 =	simm.s32 $0x13100;
	s18 =	simm.s32 $0x13900;
	[dreg:$0x11] =	wrdreg s14  }
0xe: {  	s19 =	simm.s32 $0x14100;
	s20 =	simm.s32 $0x14900;
	[dreg:$0x12] =	wrdreg s15  }
0xf: {  	s21 =	simm.s32 $0x15100;
	s28 =	simm.s32 $0x7900;
	[dreg:$0x13] =	wrdreg s16  }
0x10: {  	s29 =	simm.s32 $0x8100;
	s30 =	simm.s32 $0x8900;
	[dreg:$0x14] =	wrdreg s17  }
0x11: {  	s0 =	sand.u32 $0x1, s0;
	s1 =	sshll.u32 s1, $0x1;
	[dreg:$0x15] =	wrdreg s18  }
0x12: {  	s31 =	simm.s32 $0x9100;
	s1 =	sor.u32 s0, s1;
	[dreg:$0x16] =	wrdreg s19  }
0x13: {  	s0 =	ssub.s32 $0x2, s0;
	s7 =	simm.s32 $0x3;
	[dreg:$0x17] =	wrdreg s20  }
0x14: {  	[dreg:$0x18] =	wrdreg s21;
	s25 =	simm.s32 $0x17100;
	s9 =	simm.s32 $0x1  }
0x15: {  	s13 =	simm.s32 $0x900;
	s14 =	simm.s32 $0x1100;
	s15 =	simm.s32 $0x1900  }
0x16: {  	s16 =	simm.s32 $0x2100;
	s17 =	simm.s32 $0x2900;
	s1 =	smul.u32 $0xC0, s1  }
0x17: {  	s18 =	simm.s32 $0x3100;
	s19 =	simm.s32 $0x3900;
	s26 =	sshrl.u32 s0, $0x1  }
0x18: {  	[dreg:$0x1c] =	wrdreg s25;
	s0 =	ssub.s32 s0, s26;
	s1 =	sshrl.u32 s1, $0x3  }
0x19: {  	s26 =	simm.s32 $0x17900;
	s5 =	smul.u32 $0x300, s1;
	s1 =	sadd.s32 s1, s4  }
0x1a: {  	s20 =	simm.s32 $0x4100;
	[dreg:$0x1d] =	wrdreg s26;
	s1 =	sadd.s32 $0x1400, s1  }
0x1b: {  	s4 =	sadd.s32 s5, s4;
	[dreg:$0x3] =	wrdreg s1;
	s5 =	simm.s32 $0xD100  }
0x1c: {  	s21 =	simm.s32 $0x4900;
	s22 =	sadd.s32 $0x1800, s4;
	[dreg:$0x8] =	wrdreg s5  }
0x1d: {  	s10 =	simm.s32 $0xA900;
	s23 =	sadd.s32 $0x3000, s4;
	[dreg:$0x4] =	wrdreg s22  }
0x1e: {  	s25 =	simm.s32 $0x6900;
	s24 =	sadd.s32 $0x4800, s4;
	[dreg:$0x5] =	wrdreg s23  }
0x1f: {  	s6 =	smax.u32 s0, $0x1;
	[dreg:$0x6] =	wrdreg s24;
	s22 =	simm.s32 $0x15900  }
0x20: {  	s0 =	simm.s32 $0x100;
	s23 =	simm.s32 $0x16100;
	[dreg:$0x19] =	wrdreg s22  }
0x21: {  	v2 =	vlaneseq.u32;
	s26 =	simm.s32 $0x7100;
	s24 =	simm.s32 $0x16900;
	[dreg:$0x1a] =	wrdreg s23  }
0x22: {  	vm0 =	vmmov $0xffff;
	v1 =	vshrl.u32 v2, $0x3;
	s4 =	sadd.s32 $0x100, s2;
	s5 =	sadd.s32 $0x200, s2;
	[dreg:$0x1b] =	wrdreg s24  }
0x23: {  	v0 =	vand.u32 $0x7, v2;
	v2 =	vor.u32 $0x8, v2;
	v1 =	vmul.u32 $0x8, v1;
	s22 =	simm.s32 $0x5100;
	s23 =	simm.s32 $0x5900;
	s24 =	simm.s32 $0x6100  }
.LBB2_1:
0x24: {  	s11 =	rddreg [dreg:$0x3]  }
0x25: {  	[tilespmem:s3], [sflag:$0x3] =	stream.linear.gather [hbm4b:s11+s3], $0xC0, $0x38;
	[tilespmem:$0x18100] =	vst v63  }
0x26: {  	_ =	swait.ge [sflag:s7], $0xC0  }
0x27: {  	[sflag:s7] =	ssyncset.done $0x0  }
0x28: {  	[sflag:s7] =	ssyncadd.s32 $0xFFFFFF40  }
0x29: {  	v3 =	vld [tilespmem:$0x0];
	_ =	sdelay $0x4  }
0x2a: {  	v4 =	vshrl.u32 v3, $0x3  }
0x2b: {  	v4 =	vmul.u32 $0x30, v4  }
0x2c: {  	v3 =	vand.u32 $0x7, v3  }
0x2d: {  	v3 =	vor.u32 v3, v4  }
0x2e: {  	v4 =	vperm.xlane v3, v0;
	_ =	sdelay $0x1  }
0x2f: {  	v4 =	vadd.s32 v1, v4;
	_ =	sdelay $0x3  }
0x30: {  	v3 =	vperm.xlane v3, v2  }
0x31: {  	[tilespmem:s0], [sflag:$0x1] =	stream.indirect_vreg.gather [hbm4b:s2+s3], $0x80, v4, vm0, $0xb8;
	[tilespmem:$0x18100] =	vst v63  }
0x32: {  	v3 =	vadd.s32 v1, v3  }
0x33: {  	[tilespmem:s13], [sflag:$0x1] =	stream.indirect_vreg.gather [hbm4b:s4+s3], $0x80, v4, vm0, $0xb8;
	[tilespmem:$0x18100] =	vst v63  }
0x34: {  	_ = 	snop  }
0x35: {  	[tilespmem:s14], [sflag:$0x1] =	stream.indirect_vreg.gather [hbm4b:s5+s3], $0x80, v4, vm0, $0xb8;
	[tilespmem:$0x18100] =	vst v63  }
0x36: {  	_ = 	snop  }
0x37: {  	[tilespmem:s15], [sflag:$0x1] =	stream.indirect_vreg.gather [hbm4b:s2+s3], $0x80, v3, vm0, $0xb8;
	[tilespmem:$0x18100] =	vst v63  }
0x38: {  	_ = 	snop  }
0x39: {  	[tilespmem:s16], [sflag:$0x1] =	stream.indirect_vreg.gather [hbm4b:s4+s3], $0x80, v3, vm0, $0xb8;
	[tilespmem:$0x18100] =	vst v63  }
0x3a: {  	_ = 	snop  }
0x3b: {  	[tilespmem:s17], [sflag:$0x1] =	stream.indirect_vreg.gather [hbm4b:s5+s3], $0x80, v3, vm0, $0xb8;
	[tilespmem:$0x18100] =	vst v63  }
0x3c: {  	v3 =	vld [tilespmem:$0x10];
	_ =	sdelay $0x4  }
0x3d: {  	v53 =	vshrl.u32 v3, $0x3  }
0x3e: {  	v4 =	vmul.u32 $0x30, v53  }
0x3f: {  	v3 =	vand.u32 $0x7, v3  }
0x40: {  	v3 =	vor.u32 v3, v4  }
0x41: {  	v4 =	vperm.xlane v3, v0;
	_ =	sdelay $0x1  }
0x42: {  	v4 =	vadd.s32 v1, v4;
	_ =	sdelay $0x3  }
0x43: {  	v3 =	vperm.xlane v3, v2  }
0x44: {  	[tilespmem:s18], [sflag:$0x1] =	stream.indirect_vreg.gather [hbm4b:s2+s3], $0x80, v4, vm0, $0xb8;
	[tilespmem:$0x18100] =	vst v63  }
0x45: {  	v3 =	vadd.s32 v1, v3  }
0x46: {  	[tilespmem:s19], [sflag:$0x1] =	stream.indirect_vreg.gather [hbm4b:s4+s3], $0x80, v4, vm0, $0xb8;
	[tilespmem:$0x18100] =	vst v63  }
0x47: {  	_ = 	snop  }
0x48: {  	[tilespmem:s20], [sflag:$0x1] =	stream.indirect_vreg.gather [hbm4b:s5+s3], $0x80, v4, vm0, $0xb8;
	[tilespmem:$0x18100] =	vst v63  }
0x49: {  	_ = 	snop  }
0x4a: {  	[tilespmem:s21], [sflag:$0x1] =	stream.indirect_vreg.gather [hbm4b:s2+s3], $0x80, v3, vm0, $0xb8;
	[tilespmem:$0x18100] =	vst v63  }
0x4b: {  	_ = 	snop  }
0x4c: {  	[tilespmem:s22], [sflag:$0x1] =	stream.indirect_vreg.gather [hbm4b:s4+s3], $0x80, v3, vm0, $0xb8;
	[tilespmem:$0x18100] =	vst v63  }
0x4d: {  	_ = 	snop  }
0x4e: {  	[tilespmem:s23], [sflag:$0x1] =	stream.indirect_vreg.gather [hbm4b:s5+s3], $0x80, v3, vm0, $0xb8;
	[tilespmem:$0x18100] =	vst v63  }
0x4f: {  	v3 =	vld [tilespmem:$0x20];
	_ =	sdelay $0x4  }
0x50: {  	v54 =	vshrl.u32 v3, $0x3  }
0x51: {  	v4 =	vmul.u32 $0x30, v54  }
0x52: {  	v3 =	vand.u32 $0x7, v3  }
0x53: {  	v3 =	vor.u32 v3, v4  }
0x54: {  	v4 =	vperm.xlane v3, v0;
	_ =	sdelay $0x1  }
0x55: {  	v4 =	vadd.s32 v1, v4;
	_ =	sdelay $0x3  }
0x56: {  	v3 =	vperm.xlane v3, v2  }
0x57: {  	[tilespmem:s24], [sflag:$0x1] =	stream.indirect_vreg.gather [hbm4b:s2+s3], $0x80, v4, vm0, $0xb8;
	[tilespmem:$0x18100] =	vst v63  }
0x58: {  	v3 =	vadd.s32 v1, v3  }
0x59: {  	[tilespmem:s25], [sflag:$0x1] =	stream.indirect_vreg.gather [hbm4b:s4+s3], $0x80, v4, vm0, $0xb8;
	[tilespmem:$0x18100] =	vst v63  }
0x5a: {  	_ = 	snop  }
0x5b: {  	[tilespmem:s26], [sflag:$0x1] =	stream.indirect_vreg.gather [hbm4b:s5+s3], $0x80, v4, vm0, $0xb8;
	[tilespmem:$0x18100] =	vst v63  }
0x5c: {  	_ = 	snop  }
0x5d: {  	[tilespmem:s28], [sflag:$0x1] =	stream.indirect_vreg.gather [hbm4b:s2+s3], $0x80, v3, vm0, $0xb8;
	[tilespmem:$0x18100] =	vst v63  }
0x5e: {  	_ = 	snop  }
0x5f: {  	[tilespmem:s29], [sflag:$0x1] =	stream.indirect_vreg.gather [hbm4b:s4+s3], $0x80, v3, vm0, $0xb8;
	[tilespmem:$0x18100] =	vst v63  }
0x60: {  	_ = 	snop  }
0x61: {  	[tilespmem:s30], [sflag:$0x1] =	stream.indirect_vreg.gather [hbm4b:s5+s3], $0x80, v3, vm0, $0xb8;
	[tilespmem:$0x18100] =	vst v63  }
0x62: {  	v3 =	vld [tilespmem:$0x30];
	_ =	sdelay $0x4  }
0x63: {  	v55 =	vshrl.u32 v3, $0x3  }
0x64: {  	v4 =	vmul.u32 $0x30, v55  }
0x65: {  	v3 =	vand.u32 $0x7, v3  }
0x66: {  	v3 =	vor.u32 v3, v4  }
0x67: {  	v4 =	vperm.xlane v3, v0;
	_ =	sdelay $0x1  }
0x68: {  	v4 =	vadd.s32 v1, v4;
	_ =	sdelay $0x3  }
0x69: {  	v3 =	vperm.xlane v3, v2  }
0x6a: {  	[tilespmem:s31], [sflag:$0x1] =	stream.indirect_vreg.gather [hbm4b:s2+s3], $0x80, v4, vm0, $0xb8;
	[tilespmem:$0x18100] =	vst v63  }
0x6b: {  	s1 =	simm.s32 $0x9900;
	v3 =	vadd.s32 v1, v3  }
0x6c: {  	[tilespmem:s1], [sflag:$0x1] =	stream.indirect_vreg.gather [hbm4b:s4+s3], $0x80, v4, vm0, $0xb8;
	[tilespmem:$0x18100] =	vst v63  }
0x6d: {  	s8 =	simm.s32 $0xA100  }
0x6e: {  	[tilespmem:s8], [sflag:$0x1] =	stream.indirect_vreg.gather [hbm4b:s5+s3], $0x80, v4, vm0, $0xb8;
	[tilespmem:$0x18100] =	vst v63  }
0x6f: {  	_ = 	snop  }
0x70: {  	[tilespmem:s10], [sflag:$0x1] =	stream.indirect_vreg.gather [hbm4b:s2+s3], $0x80, v3, vm0, $0xb8;
	[tilespmem:$0x18100] =	vst v63  }
0x71: {  	s8 =	simm.s32 $0xB100  }
0x72: {  	[tilespmem:s8], [sflag:$0x1] =	stream.indirect_vreg.gather [hbm4b:s4+s3], $0x80, v3, vm0, $0xb8;
	[tilespmem:$0x18100] =	vst v63  }
0x73: {  	s11 =	simm.s32 $0xB900  }
0x74: {  	[tilespmem:s11], [sflag:$0x1] =	stream.indirect_vreg.gather [hbm4b:s5+s3], $0x80, v3, vm0, $0xb8;
	[tilespmem:$0x18100] =	vst v63  }
0x75: {  	v3 =	vld [tilespmem:$0x40];
	_ =	sdelay $0x4  }
0x76: {  	v56 =	vshrl.u32 v3, $0x3  }
0x77: {  	v4 =	vmul.u32 $0x30, v56  }
0x78: {  	v3 =	vand.u32 $0x7, v3  }
0x79: {  	v3 =	vor.u32 v3, v4  }
0x7a: {  	v4 =	vperm.xlane v3, v0;
	_ =	sdelay $0x1  }
0x7b: {  	v4 =	vadd.s32 v1, v4;
	_ =	sdelay $0x3  }
0x7c: {  	s1 =	simm.s32 $0xC100;
	v3 =	vperm.xlane v3, v2  }
0x7d: {  	[tilespmem:s1], [sflag:$0x2] =	stream.indirect_vreg.gather [hbm4b:s2+s3], $0x80, v4, vm0, $0xb8;
	[tilespmem:$0x18100] =	vst v63  }
0x7e: {  	s11 =	rddreg [dreg:$0x7];
	v3 =	vadd.s32 v1, v3  }
0x7f: {  	[tilespmem:s11], [sflag:$0x2] =	stream.indirect_vreg.gather [hbm4b:s4+s3], $0x80, v4, vm0, $0xb8;
	[tilespmem:$0x18100] =	vst v63  }
0x80: {  	s12 =	rddreg [dreg:$0x8]  }
0x81: {  	[tilespmem:s12], [sflag:$0x2] =	stream.indirect_vreg.gather [hbm4b:s5+s3], $0x80, v4, vm0, $0xb8;
	[tilespmem:$0x18100] =	vst v63  }
0x82: {  	s11 =	rddreg [dreg:$0x9]  }
0x83: {  	[tilespmem:s11], [sflag:$0x2] =	stream.indirect_vreg.gather [hbm4b:s2+s3], $0x80, v3, vm0, $0xb8;
	[tilespmem:$0x18100] =	vst v63  }
0x84: {  	s12 =	rddreg [dreg:$0xa]  }
0x85: {  	[tilespmem:s12], [sflag:$0x2] =	stream.indirect_vreg.gather [hbm4b:s4+s3], $0x80, v3, vm0, $0xb8;
	[tilespmem:$0x18100] =	vst v63  }
0x86: {  	s11 =	rddreg [dreg:$0xb]  }
0x87: {  	[tilespmem:s11], [sflag:$0x2] =	stream.indirect_vreg.gather [hbm4b:s5+s3], $0x80, v3, vm0, $0xb8;
	[tilespmem:$0x18100] =	vst v63  }
0x88: {  	v3 =	vld [tilespmem:$0x50];
	_ =	sdelay $0x4  }
0x89: {  	v57 =	vshrl.u32 v3, $0x3  }
0x8a: {  	v4 =	vmul.u32 $0x30, v57  }
0x8b: {  	v3 =	vand.u32 $0x7, v3  }
0x8c: {  	v3 =	vor.u32 v3, v4  }
0x8d: {  	v4 =	vperm.xlane v3, v0;
	_ =	sdelay $0x1  }
0x8e: {  	v4 =	vadd.s32 v1, v4;
	_ =	sdelay $0x3  }
0x8f: {  	s11 =	rddreg [dreg:$0xc];
	v3 =	vperm.xlane v3, v2  }
0x90: {  	[tilespmem:s11], [sflag:$0x2] =	stream.indirect_vreg.gather [hbm4b:s2+s3], $0x80, v4, vm0, $0xb8;
	[tilespmem:$0x18100] =	vst v63  }
0x91: {  	s12 =	rddreg [dreg:$0xd];
	v3 =	vadd.s32 v1, v3  }
0x92: {  	[tilespmem:s12], [sflag:$0x2] =	stream.indirect_vreg.gather [hbm4b:s4+s3], $0x80, v4, vm0, $0xb8;
	[tilespmem:$0x18100] =	vst v63  }
0x93: {  	s11 =	rddreg [dreg:$0xe]  }
0x94: {  	[tilespmem:s11], [sflag:$0x2] =	stream.indirect_vreg.gather [hbm4b:s5+s3], $0x80, v4, vm0, $0xb8;
	[tilespmem:$0x18100] =	vst v63  }
0x95: {  	s12 =	rddreg [dreg:$0xf]  }
0x96: {  	[tilespmem:s12], [sflag:$0x2] =	stream.indirect_vreg.gather [hbm4b:s2+s3], $0x80, v3, vm0, $0xb8;
	[tilespmem:$0x18100] =	vst v63  }
0x97: {  	s11 =	rddreg [dreg:$0x10]  }
0x98: {  	[tilespmem:s11], [sflag:$0x2] =	stream.indirect_vreg.gather [hbm4b:s4+s3], $0x80, v3, vm0, $0xb8;
	[tilespmem:$0x18100] =	vst v63  }
0x99: {  	s12 =	rddreg [dreg:$0x11]  }
0x9a: {  	[tilespmem:s12], [sflag:$0x2] =	stream.indirect_vreg.gather [hbm4b:s5+s3], $0x80, v3, vm0, $0xb8;
	[tilespmem:$0x18100] =	vst v63  }
0x9b: {  	v3 =	vld [tilespmem:$0x60];
	_ =	sdelay $0x4  }
0x9c: {  	v58 =	vshrl.u32 v3, $0x3  }
0x9d: {  	v4 =	vmul.u32 $0x30, v58  }
0x9e: {  	v3 =	vand.u32 $0x7, v3  }
0x9f: {  	v3 =	vor.u32 v3, v4  }
0xa0: {  	v4 =	vperm.xlane v3, v0;
	_ =	sdelay $0x1  }
0xa1: {  	v4 =	vadd.s32 v1, v4;
	_ =	sdelay $0x3  }
0xa2: {  	s11 =	rddreg [dreg:$0x12];
	v3 =	vperm.xlane v3, v2  }
0xa3: {  	[tilespmem:s11], [sflag:$0x2] =	stream.indirect_vreg.gather [hbm4b:s2+s3], $0x80, v4, vm0, $0xb8;
	[tilespmem:$0x18100] =	vst v63  }
0xa4: {  	s12 =	rddreg [dreg:$0x13];
	v3 =	vadd.s32 v1, v3  }
0xa5: {  	[tilespmem:s12], [sflag:$0x2] =	stream.indirect_vreg.gather [hbm4b:s4+s3], $0x80, v4, vm0, $0xb8;
	[tilespmem:$0x18100] =	vst v63  }
0xa6: {  	s11 =	rddreg [dreg:$0x14]  }
0xa7: {  	[tilespmem:s11], [sflag:$0x2] =	stream.indirect_vreg.gather [hbm4b:s5+s3], $0x80, v4, vm0, $0xb8;
	[tilespmem:$0x18100] =	vst v63  }
0xa8: {  	s12 =	rddreg [dreg:$0x15]  }
0xa9: {  	[tilespmem:s12], [sflag:$0x2] =	stream.indirect_vreg.gather [hbm4b:s2+s3], $0x80, v3, vm0, $0xb8;
	[tilespmem:$0x18100] =	vst v63  }
0xaa: {  	s11 =	rddreg [dreg:$0x16]  }
0xab: {  	[tilespmem:s11], [sflag:$0x2] =	stream.indirect_vreg.gather [hbm4b:s4+s3], $0x80, v3, vm0, $0xb8;
	[tilespmem:$0x18100] =	vst v63  }
0xac: {  	s12 =	rddreg [dreg:$0x17]  }
0xad: {  	[tilespmem:s12], [sflag:$0x2] =	stream.indirect_vreg.gather [hbm4b:s5+s3], $0x80, v3, vm0, $0xb8;
	[tilespmem:$0x18100] =	vst v63  }
0xae: {  	v3 =	vld [tilespmem:$0x70];
	_ =	sdelay $0x4  }
0xaf: {  	v59 =	vshrl.u32 v3, $0x3  }
0xb0: {  	v4 =	vmul.u32 $0x30, v59  }
0xb1: {  	v3 =	vand.u32 $0x7, v3  }
0xb2: {  	v3 =	vor.u32 v3, v4  }
0xb3: {  	v4 =	vperm.xlane v3, v0;
	_ =	sdelay $0x1  }
0xb4: {  	v4 =	vadd.s32 v1, v4;
	_ =	sdelay $0x3  }
0xb5: {  	s11 =	rddreg [dreg:$0x18];
	v3 =	vperm.xlane v3, v2  }
0xb6: {  	[tilespmem:s11], [sflag:$0x2] =	stream.indirect_vreg.gather [hbm4b:s2+s3], $0x80, v4, vm0, $0xb8;
	[tilespmem:$0x18100] =	vst v63  }
0xb7: {  	s12 =	rddreg [dreg:$0x19];
	v3 =	vadd.s32 v1, v3  }
0xb8: {  	[tilespmem:s12], [sflag:$0x2] =	stream.indirect_vreg.gather [hbm4b:s4+s3], $0x80, v4, vm0, $0xb8;
	[tilespmem:$0x18100] =	vst v63  }
0xb9: {  	s11 =	rddreg [dreg:$0x1a]  }
0xba: {  	[tilespmem:s11], [sflag:$0x2] =	stream.indirect_vreg.gather [hbm4b:s5+s3], $0x80, v4, vm0, $0xb8;
	[tilespmem:$0x18100] =	vst v63  }
0xbb: {  	s12 =	rddreg [dreg:$0x1b]  }
0xbc: {  	[tilespmem:s12], [sflag:$0x2] =	stream.indirect_vreg.gather [hbm4b:s2+s3], $0x80, v3, vm0, $0xb8;
	[tilespmem:$0x18100] =	vst v63  }
0xbd: {  	s11 =	rddreg [dreg:$0x1c]  }
0xbe: {  	[tilespmem:s11], [sflag:$0x2] =	stream.indirect_vreg.gather [hbm4b:s4+s3], $0x80, v3, vm0, $0xb8;
	[tilespmem:$0x18100] =	vst v63  }
0xbf: {  	s12 =	rddreg [dreg:$0x1d]  }
0xc0: {  	[tilespmem:s12], [sflag:$0x2] =	stream.indirect_vreg.gather [hbm4b:s5+s3], $0x80, v3, vm0, $0xb8;
	[tilespmem:$0x18100] =	vst v63  }
0xc1: {  	_ =	swait.ge [sflag:s9], $0xC000  }
0xc2: {  	[sflag:s9] =	ssyncset.done $0x0  }
0xc3: {  	s12 =	rddreg [dreg:$0x4];
	[sflag:s9] =	ssyncadd.s32 $0xFFFF4000  }
0xc4: {  	[hbm4b:s12+s3] =	stream.linear.scatter [tilespmem:s0], [sflag:$0x3], $0xC000, $0x38;
	[tilespmem:$0x18100] =	vst v63  }
0xc5: {  	_ =	swait.ge [sflag:s7], $0xC000  }
0xc6: {  	[sflag:s7] =	ssyncset.done $0x0  }
0xc7: {  	[sflag:s7] =	ssyncadd.s32 $0xFFFF4000  }
0xc8: {  	v3 =	vld [tilespmem:$0x80];
	_ =	sdelay $0x4  }
0xc9: {  	v60 =	vshrl.u32 v3, $0x3  }
0xca: {  	v4 =	vmul.u32 $0x30, v60  }
0xcb: {  	v3 =	vand.u32 $0x7, v3  }
0xcc: {  	v3 =	vor.u32 v3, v4  }
0xcd: {  	v4 =	vperm.xlane v3, v0;
	_ =	sdelay $0x1  }
0xce: {  	v4 =	vadd.s32 v1, v4;
	_ =	sdelay $0x3  }
0xcf: {  	v3 =	vperm.xlane v3, v2  }
0xd0: {  	[tilespmem:s0], [sflag:$0x1] =	stream.indirect_vreg.gather [hbm4b:s2+s3], $0x80, v4, vm0, $0xb8;
	[tilespmem:$0x18100] =	vst v63  }
0xd1: {  	v3 =	vadd.s32 v1, v3  }
0xd2: {  	[tilespmem:s13], [sflag:$0x1] =	stream.indirect_vreg.gather [hbm4b:s4+s3], $0x80, v4, vm0, $0xb8;
	[tilespmem:$0x18100] =	vst v63  }
0xd3: {  	_ = 	snop  }
0xd4: {  	[tilespmem:s14], [sflag:$0x1] =	stream.indirect_vreg.gather [hbm4b:s5+s3], $0x80, v4, vm0, $0xb8;
	[tilespmem:$0x18100] =	vst v63  }
0xd5: {  	_ = 	snop  }
0xd6: {  	[tilespmem:s15], [sflag:$0x1] =	stream.indirect_vreg.gather [hbm4b:s2+s3], $0x80, v3, vm0, $0xb8;
	[tilespmem:$0x18100] =	vst v63  }
0xd7: {  	_ = 	snop  }
0xd8: {  	[tilespmem:s16], [sflag:$0x1] =	stream.indirect_vreg.gather [hbm4b:s4+s3], $0x80, v3, vm0, $0xb8;
	[tilespmem:$0x18100] =	vst v63  }
0xd9: {  	_ = 	snop  }
0xda: {  	[tilespmem:s17], [sflag:$0x1] =	stream.indirect_vreg.gather [hbm4b:s5+s3], $0x80, v3, vm0, $0xb8;
	[tilespmem:$0x18100] =	vst v63  }
0xdb: {  	v3 =	vld [tilespmem:$0x90];
	_ =	sdelay $0x4  }
0xdc: {  	v61 =	vshrl.u32 v3, $0x3  }
0xdd: {  	v4 =	vmul.u32 $0x30, v61  }
0xde: {  	v3 =	vand.u32 $0x7, v3  }
0xdf: {  	v3 =	vor.u32 v3, v4  }
0xe0: {  	v4 =	vperm.xlane v3, v0;
	_ =	sdelay $0x1  }
0xe1: {  	v4 =	vadd.s32 v1, v4;
	_ =	sdelay $0x3  }
0xe2: {  	v3 =	vperm.xlane v3, v2  }
0xe3: {  	[tilespmem:s18], [sflag:$0x1] =	stream.indirect_vreg.gather [hbm4b:s2+s3], $0x80, v4, vm0, $0xb8;
	[tilespmem:$0x18100] =	vst v63  }
0xe4: {  	v3 =	vadd.s32 v1, v3  }
0xe5: {  	[tilespmem:s19], [sflag:$0x1] =	stream.indirect_vreg.gather [hbm4b:s4+s3], $0x80, v4, vm0, $0xb8;
	[tilespmem:$0x18100] =	vst v63  }
0xe6: {  	_ = 	snop  }
0xe7: {  	[tilespmem:s20], [sflag:$0x1] =	stream.indirect_vreg.gather [hbm4b:s5+s3], $0x80, v4, vm0, $0xb8;
	[tilespmem:$0x18100] =	vst v63  }
0xe8: {  	_ = 	snop  }
0xe9: {  	[tilespmem:s21], [sflag:$0x1] =	stream.indirect_vreg.gather [hbm4b:s2+s3], $0x80, v3, vm0, $0xb8;
	[tilespmem:$0x18100] =	vst v63  }
0xea: {  	_ = 	snop  }
0xeb: {  	[tilespmem:s22], [sflag:$0x1] =	stream.indirect_vreg.gather [hbm4b:s4+s3], $0x80, v3, vm0, $0xb8;
	[tilespmem:$0x18100] =	vst v63  }
0xec: {  	_ = 	snop  }
0xed: {  	[tilespmem:s23], [sflag:$0x1] =	stream.indirect_vreg.gather [hbm4b:s5+s3], $0x80, v3, vm0, $0xb8;
	[tilespmem:$0x18100] =	vst v63  }
0xee: {  	v3 =	vld [tilespmem:$0xA0];
	_ =	sdelay $0x4  }
0xef: {  	v62 =	vshrl.u32 v3, $0x3  }
0xf0: {  	v4 =	vmul.u32 $0x30, v62  }
0xf1: {  	v3 =	vand.u32 $0x7, v3  }
0xf2: {  	v3 =	vor.u32 v3, v4  }
0xf3: {  	v4 =	vperm.xlane v3, v0;
	_ =	sdelay $0x1  }
0xf4: {  	v4 =	vadd.s32 v1, v4;
	_ =	sdelay $0x3  }
0xf5: {  	v3 =	vperm.xlane v3, v2  }
0xf6: {  	[tilespmem:s24], [sflag:$0x1] =	stream.indirect_vreg.gather [hbm4b:s2+s3], $0x80, v4, vm0, $0xb8;
	[tilespmem:$0x18100] =	vst v63  }
0xf7: {  	v3 =	vadd.s32 v1, v3  }
0xf8: {  	[tilespmem:s25], [sflag:$0x1] =	stream.indirect_vreg.gather [hbm4b:s4+s3], $0x80, v4, vm0, $0xb8;
	[tilespmem:$0x18100] =	vst v63  }
0xf9: {  	_ = 	snop  }
0xfa: {  	[tilespmem:s26], [sflag:$0x1] =	stream.indirect_vreg.gather [hbm4b:s5+s3], $0x80, v4, vm0, $0xb8;
	[tilespmem:$0x18100] =	vst v63  }
0xfb: {  	_ = 	snop  }
0xfc: {  	[tilespmem:s28], [sflag:$0x1] =	stream.indirect_vreg.gather [hbm4b:s2+s3], $0x80, v3, vm0, $0xb8;
	[tilespmem:$0x18100] =	vst v63  }
0xfd: {  	_ = 	snop  }
0xfe: {  	[tilespmem:s29], [sflag:$0x1] =	stream.indirect_vreg.gather [hbm4b:s4+s3], $0x80, v3, vm0, $0xb8;
	[tilespmem:$0x18100] =	vst v63  }
0xff: {  	_ = 	snop  }
0x100: {  	[tilespmem:s30], [sflag:$0x1] =	stream.indirect_vreg.gather [hbm4b:s5+s3], $0x80, v3, vm0, $0xb8;
	[tilespmem:$0x18100] =	vst v63  }
0x101: {  	v3 =	vld [tilespmem:$0xB0];
	_ =	sdelay $0x4  }
0x102: {  	v63 =	vshrl.u32 v3, $0x3  }
0x103: {  	v4 =	vmul.u32 $0x30, v63  }
0x104: {  	v3 =	vand.u32 $0x7, v3  }
0x105: {  	v3 =	vor.u32 v3, v4  }
0x106: {  	v4 =	vperm.xlane v3, v0;
	_ =	sdelay $0x1  }
0x107: {  	v4 =	vadd.s32 v1, v4;
	_ =	sdelay $0x3  }
0x108: {  	v3 =	vperm.xlane v3, v2  }
0x109: {  	[tilespmem:s31], [sflag:$0x1] =	stream.indirect_vreg.gather [hbm4b:s2+s3], $0x80, v4, vm0, $0xb8;
	[tilespmem:$0x18100] =	vst v63  }
0x10a: {  	s12 =	simm.s32 $0x9900;
	v3 =	vadd.s32 v1, v3  }
0x10b: {  	[tilespmem:s12], [sflag:$0x1] =	stream.indirect_vreg.gather [hbm4b:s4+s3], $0x80, v4, vm0, $0xb8;
	[tilespmem:$0x18100] =	vst v63  }
0x10c: {  	s12 =	simm.s32 $0xA100  }
0x10d: {  	[tilespmem:s12], [sflag:$0x1] =	stream.indirect_vreg.gather [hbm4b:s5+s3], $0x80, v4, vm0, $0xb8;
	[tilespmem:$0x18100] =	vst v63  }
0x10e: {  	_ = 	snop  }
0x10f: {  	[tilespmem:s10], [sflag:$0x1] =	stream.indirect_vreg.gather [hbm4b:s2+s3], $0x80, v3, vm0, $0xb8;
	[tilespmem:$0x18100] =	vst v63  }
0x110: {  	_ = 	snop  }
0x111: {  	[tilespmem:s8], [sflag:$0x1] =	stream.indirect_vreg.gather [hbm4b:s4+s3], $0x80, v3, vm0, $0xb8;
	[tilespmem:$0x18100] =	vst v63  }
0x112: {  	s11 =	simm.s32 $0x2;
	s12 =	simm.s32 $0xB900  }
0x113: {  	[tilespmem:s12], [sflag:$0x1] =	stream.indirect_vreg.gather [hbm4b:s5+s3], $0x80, v3, vm0, $0xb8;
	[tilespmem:$0x18100] =	vst v63  }
0x114: {  	_ =	swait.ge [sflag:s11], $0xC000  }
0x115: {  	[sflag:s11] =	ssyncset.done $0x0  }
0x116: {  	s12 =	rddreg [dreg:$0x5];
	[sflag:s11] =	ssyncadd.s32 $0xFFFF4000  }
0x117: {  	[hbm4b:s12+s3] =	stream.linear.scatter [tilespmem:s1], [sflag:$0x3], $0xC000, $0x38;
	[tilespmem:$0x18100] =	vst v63  }
0x118: {  	_ =	swait.ge [sflag:s7], $0xC000  }
0x119: {  	[sflag:s7] =	ssyncset.done $0x0  }
0x11a: {  	[sflag:s7] =	ssyncadd.s32 $0xFFFF4000  }
0x11b: {  	_ =	swait.ge [sflag:s9], $0xC000  }
0x11c: {  	p0 =	sne.s32 s6, $0x1;
	[sflag:s9] =	ssyncset.done $0x0  }
.Ltmp0:
0x11d: {  	s12 =	rddreg [dreg:$0x6];
	[sflag:s9] =	ssyncadd.s32 $0xFFFF4000;
	(pc) =	sbr.rel @p0 .LBB2_1-.Ltmp0, $4  }
0x11e: {  	[hbm4b:s12+s3] =	stream.linear.scatter [tilespmem:s0], [sflag:$0x3], $0xC000, $0x38;
	[tilespmem:$0x18100] =	vst v63  }
0x11f: {  	_ =	swait.ge [sflag:s7], $0xC000  }
0x120: {  	[sflag:s7] =	ssyncset.done $0x0  }
0x121: {  	s6 =	sadd.s32 $0xFFFFFFFF, s6;
	[sflag:s7] =	ssyncadd.s32 $0xFFFF4000  }
0x122: {  	_ =	sfence.sel $0x180000  }
0x123: {  	[bflag:$0x0] =	sbarrier.arrive $0xFFFF  }
0x124: {  	_ =	strace $0x90000047  }
0x125: {  	s0 =	stileid.u32;
	[bflag:$0x2] =	sbarrier.arrive $0xFFFF  }
0x126: {  	p0 =	sne.s32 s0, $0x0;
	s0 =	rddreg [dreg:$0x2]  }
0x127: {  	s0 =	sadd.s32 @!p0 $0x100000, s0  }
0x128: {  	[sflag:s0] =	ssyncadd.tile.s32 @!p0 $0x1;
	_ =	shalt  }
.Lfunc_end2:
_tile_overlayer_lowered:
.L_overlay_start_2:
0x129: {  	(tag) =	ssettag $0x2  }
0x12a: {  	s0 =	rddreg [dreg:$0x0];
	s2 =	stileid.u32  }
0x12b: {  	s1 =	rddreg [dreg:$0x1];
	p0 =	sne.s32 s2, $0x0  }
0x12c: {  	s3 =	rddreg [dreg:$0x2];
	[bflag:$0x3] =	sbarrier.arrive $0xFFFF;
	s2 =	simm.s32 @!p0 $0x1C03  }
0x12d: {  	[timem:s3], [sflag:s2] =	dma.local @!p0 [hbm:s0], s1  }
0x12e: {  	s0 =	simm.s32 @!p0 $0x3  }
0x12f: {  	_ =	swait.ge @!p0 [sflag:s0], s1  }
0x130: {  	s1 =	ssub.s32 @!p0 $0x0, s1;
	[sflag:s0] =	ssyncset.done @!p0 $0x0  }
0x131: {  	[sflag:s0] =	ssyncadd.s32 @!p0 s1  }
0x132: {  	[bflag:$0x3] =	sbarrier.arrive $0xFFFF  }
0x133: {  	_ =	shalt  }

// kernel: kernel.9.cloned.1.call-start
scs
__scs_entry_jumppad:
0x0: {  	(pc) =	sbr.rel $0x88, $3  }
0x1: {  	(tag) =	ssettag $0x0;
	lr =	simm.s32 $0x1  }
0x2: {  	[smem:$0x3F9A] =	sst lr;
	_ =	strace $0xD0000000  }
0x3: {  	_ = 	snop  }
0x4: {  	_ = 	snop  }
0x5: {  	_ = 	snop  }
0x6: {  	_ = 	snop  }
0x7: {  	_ = 	snop  }
__scs_overlays_trampoline_lowered:
0x8: {  	[smem:$0x3FA9] =	sst s0  }
0x9: {  	[smem:$0x3FAA] =	sst s1  }
0xa: {  	[smem:$0x3FAB] =	sst s2  }
0xb: {  	[smem:$0x3FAC] =	sst s3  }
0xc: {  	[smem:$0x3FAD] =	sst s4  }
0xd: {  	[smem:$0x3FAE] =	sst s5  }
0xe: {  	[smem:$0x3FAF] =	sst s6  }
0xf: {  	[smem:$0x3FB0] =	sst s7  }
0x10: {  	[smem:$0x3FB1] =	sst s8  }
0x11: {  	[smem:$0x3FB2] =	sst s9;
	s0 =	simm.s32 @!p0 $0x0  }
0x12: {  	s1 =	sld [smem:$0x3F98];
	s0 =	simm.s32 @p0 $0x1  }
0x13: {  	[smem:$0x3FB3] =	sst s0;
	s0 =	simm.s32 @!p1 $0x0  }
0x14: {  	s2 =	sld [smem:$0x3F97];
	s0 =	simm.s32 @p1 $0x1  }
0x15: {  	[smem:$0x3FB4] =	sst s0;
	s0 =	simm.s32 @!p2 $0x0  }
0x16: {  	s3 =	sld [smem:$0x3FDB];
	s0 =	simm.s32 @p2 $0x1  }
0x17: {  	s4 =	simm.s32 $0x1BF5;
	[smem:$0x3FB6] =	sst s0  }
0x18: {  	s0 =	sld [smem:$0x3F99];
	_ =	swait.ge [sflag:s4], $0x0  }
0x19: {  	s7 =	sld [smem:$0x3F9A]  }
0x1a: {  	s8 =	sadd.s32 $0xFFFFE003, lr  }
0x1b: {  	s9 =	sadd.s32 $0xFFFFFEF7, lr;
	s5 =	simm.s32 $0xFFFFFFFF;
	p2 =	slt.u32 s8, $0xFFFFF086  }
0x1c: {  	p1 =	slt.u32 s9, $0xF7A;
	s5 =	simm.s32 @!p2 $0x0  }
0x1d: {  	s5 =	simm.s32 @p1 $0x1;
	p0 =	seq.s32 s7, s2  }
0x1e: {  	s7 =	smul.u32 @!p0 $0xF7A, s2;
	p2 =	seq.s32 @!p0 s5, $0x0  }
0x1f: {  	s9 =	smul.u32 $0xF7A, s1;
	s8 =	simm.s32 @!p0 $0x1BF5;
	p2 =	por !p2, p0  }
0x20: {  	[sflag:s8] =	ssyncset.s32 @!p0 $0xFFFFF086;
	s6 =	sadd.s32 @!p0 s3, s7;
	s7 =	simm.s32 @!p0 $0x108  }
0x21: {  	s3 =	sadd.s32 s3, s9;
	s6 =	sadd.s32 @!p0 $0x88, s6;
	s7 =	simm.s32 @p2 $0x1082  }
0x22: {  	[simem:s7], [sflag:s8] =	dma.local @!p0 [hbm:s6], $0xF7A  }
0x23: {  	s9 =	sor.u32 $0xD0000000, s2;
	s6 =	simm.s32 $0x108;
	_ =	swait.ge @!p0 [sflag:s8], $0x0  }
0x24: {  	s3 =	sadd.s32 $0x88, s3;
	s6 =	simm.s32 @!p1 $0x1082;
	[sflag:s4] =	ssyncset.s32 $0xFFFFF086  }
0x25: {  	[simem:s6], [sflag:s4] =	dma.local [hbm:s3], $0xF7A  }
0x26: {  	[smem:$0x3F9A] =	sst s1;
	(tag) =	ssettag s2;
	_ =	strace s9  }
0x27: {  	s1 =	sld [smem:$0x3FAA]  }
0x28: {  	s2 =	sld [smem:$0x3FAB]  }
0x29: {  	s4 =	sld [smem:$0x3FAD]  }
0x2a: {  	p0 =	seq.s32 s5, $0x0;
	s5 =	sld [smem:$0x3FAE]  }
0x2b: {  	s6 =	sld [smem:$0x3FAF]  }
0x2c: {  	s7 =	sld [smem:$0x3FB0]  }
0x2d: {  	s3 =	simm.s32 $0x108;
	s8 =	sld [smem:$0x3FB1]  }
0x2e: {  	s3 =	simm.s32 @!p0 $0x1082;
	s9 =	sld [smem:$0x3FB2]  }
0x2f: {  	lr =	sadd.s32 s0, s3;
	s0 =	sld [smem:$0x3FA9]  }
0x30: {  	s3 =	sld [smem:$0x3FAC]  }
0x31: {  	[smem:$0x3FB5] =	sst s10  }
0x32: {  	s10 =	sld [smem:$0x3FB3];
	_ =	sdelay $0x3  }
0x33: {  	p0 =	seq.s32 s10, $0x1;
	s10 =	sld [smem:$0x3FB5];
	_ =	sdelay $0x3  }
0x34: {  	[smem:$0x3FB5] =	sst s10  }
0x35: {  	s10 =	sld [smem:$0x3FB4];
	_ =	sdelay $0x3  }
0x36: {  	p1 =	seq.s32 s10, $0x1;
	s10 =	sld [smem:$0x3FB5];
	_ =	sdelay $0x3  }
0x37: {  	[smem:$0x3FB5] =	sst s10  }
0x38: {  	s10 =	sld [smem:$0x3FB6]  }
0x39: {  	_ = 	snop;
	(pc) =	sbr.ind lr, $3  }
0x3a: {  	_ = 	snop  }
0x3b: {  	_ = 	snop  }
0x3c: {  	p2 =	seq.s32 s10, $0x1;
	s10 =	sld [smem:$0x3FB5]  }
0x3d: {  	_ =	shalt  }
0x3e: {  	_ =	shalt  }
0x3f: {  	_ =	shalt  }
0x40: {  	_ =	shalt  }
0x41: {  	_ =	shalt  }
0x42: {  	_ =	shalt  }
0x43: {  	_ =	shalt  }
0x44: {  	_ =	shalt  }
0x45: {  	_ =	shalt  }
0x46: {  	_ =	shalt  }
0x47: {  	_ =	shalt  }
0x48: {  	_ =	shalt  }
0x49: {  	_ =	shalt  }
0x4a: {  	_ =	shalt  }
0x4b: {  	_ =	shalt  }
0x4c: {  	_ =	shalt  }
0x4d: {  	_ =	shalt  }
0x4e: {  	_ =	shalt  }
0x4f: {  	_ =	shalt  }
0x50: {  	_ =	shalt  }
0x51: {  	_ =	shalt  }
0x52: {  	_ =	shalt  }
0x53: {  	_ =	shalt  }
0x54: {  	_ =	shalt  }
0x55: {  	_ =	shalt  }
0x56: {  	_ =	shalt  }
0x57: {  	_ =	shalt  }
0x58: {  	_ =	shalt  }
0x59: {  	_ =	shalt  }
0x5a: {  	_ =	shalt  }
0x5b: {  	_ =	shalt  }
0x5c: {  	_ =	shalt  }
0x5d: {  	_ =	shalt  }
0x5e: {  	_ =	shalt  }
0x5f: {  	_ =	shalt  }
0x60: {  	_ =	shalt  }
0x61: {  	_ =	shalt  }
0x62: {  	_ =	shalt  }
0x63: {  	_ =	shalt  }
0x64: {  	_ =	shalt  }
0x65: {  	_ =	shalt  }
0x66: {  	_ =	shalt  }
0x67: {  	_ =	shalt  }
0x68: {  	_ =	shalt  }
0x69: {  	_ =	shalt  }
0x6a: {  	_ =	shalt  }
0x6b: {  	_ =	shalt  }
0x6c: {  	_ =	shalt  }
0x6d: {  	_ =	shalt  }
0x6e: {  	_ =	shalt  }
0x6f: {  	_ =	shalt  }
0x70: {  	_ =	shalt  }
0x71: {  	_ =	shalt  }
0x72: {  	_ =	shalt  }
0x73: {  	_ =	shalt  }
0x74: {  	_ =	shalt  }
0x75: {  	_ =	shalt  }
0x76: {  	_ =	shalt  }
0x77: {  	_ =	shalt  }
0x78: {  	_ =	shalt  }
0x79: {  	_ =	shalt  }
0x7a: {  	_ =	shalt  }
0x7b: {  	_ =	shalt  }
0x7c: {  	_ =	shalt  }
0x7d: {  	_ =	shalt  }
0x7e: {  	_ =	shalt  }
0x7f: {  	_ =	shalt  }
0x80: {  	_ =	shalt  }
0x81: {  	_ =	shalt  }
0x82: {  	_ =	shalt  }
0x83: {  	_ =	shalt  }
0x84: {  	_ =	shalt  }
0x85: {  	_ =	shalt  }
0x86: {  	_ =	shalt  }
0x87: {  	_ =	shalt  }
.Lfunc_end0:
.L_simem_size_0:
called_computation.1_lowered:
.L_overlay_start_0:
0x88: {  	s2 =	sld [smem:$0x3FD9]  }
0x89: {  	s3 =	sld [smem:$0x3FFE];
	_ =	sdelay $0x1  }
0x8a: {  	s1 =	srdreg.scid  }
0x8b: {  	s0 =	sand.u32 $0x1, s1  }
0x8c: {  	s17 =	sshll.u32 s0, $0xA;
	s2 =	sadd.s32 s3, s2  }
0x8d: {  	s2 =	sadd.s32 s2, s17  }
0x8e: {  	[smem:$0x3FC1] =	sst s2  }
0x8f: {  	_ = 	snop  }
0x90: {  	s18 =	sld [smem:$0x3FC7];
	(tm) =	ssettm $0x1  }
0x91: {  	s19 =	sld [smem:$0x3FFB];
	_ =	sdelay $0x3  }
0x92: {  	_ =	strace s19  }
0x93: {  	s2 =	sld [smem:$0x3FFC];
	_ =	sdelay $0x3  }
0x94: {  	_ =	strace s2  }
0x95: {  	s2 =	sld [smem:$0x3FFD];
	_ =	sdelay $0x3  }
0x96: {  	_ =	strace s2  }
0x97: {  	_ =	strace $0x8FFFFFFF  }
0x98: {  	s20 =	sld [smem:$0x3FDB];
	_ =	sdelay $0x1  }
0x99: {  	s4 =	simm.s32 $_scs_section_size  }
0x9a: {  	s5 =	simm.s32 $_size__tile_overlayer_lowered;
	s6 =	simm.s32 $_tile_overlayer_lowered  }
0x9b: {  	s7 =	simm.s32 $0x1BFF;
	s21 =	sshll.u32 s6, $0x1;
	s4 =	sadd.s32 s4, s20  }
0x9c: {  	s22 =	simm.s32 $0x0;
	s5 =	sshll.u32 s5, $0x1;
	s6 =	sadd.s32 s21, s4  }
0x9d: {  	[timem:s22], [sflag:s7] =	dma.local [hbm:s6], s5  }
0x9e: {  	_ =	swait.ge [sflag:s7], s5  }
0x9f: {  	s5 =	ssub.s32 $0x0, s5;
	[sflag:s7] =	ssyncset.done $0x0  }
0xa0: {  	[sflag:s7] =	ssyncadd.s32 s5;
	_ =	sdelay $0x1  }
0xa1: {  	s23 =	simm.s32 $0x1B8B  }
0xa2: {  	_ =	swait.ge [sflag:s23], $0x1  }
0xa3: {  	[sflag:s23] =	ssyncset.done $0x0  }
0xa4: {  	[sflag:s23] =	ssyncadd.s32 $0xFFFFFFFF  }
0xa5: {  	s5 =	sld [smem:$0x0]  }
0xa6: {  	s6 =	sand.u32 $0xFFFFFFFE, s1  }
0xa7: {  	p0 =	sne.s32 s1, s6  }
0xa8: {  	s6 =	sshll.u32 @p0 s6, $0xE  }
0xa9: {  	s6 =	sadd.s32 @p0 $0x11B8D, s6;
	s7 =	sshll.u32 @p0 s5, $0x11  }
0xaa: {  	s6 =	sor.u32 @p0 s7, s6  }
0xab: {  	[sflag:s6] =	ssyncadd.remote.s32 @p0 $0x1;
	_ =	sdelay $0x1  }
0xac: {  	s6 =	simm.s32 @p0 $0x1B8D  }
0xad: {  	_ =	swait.eq @p0 [sflag:s6], $0x1  }
0xae: {  	[sflag:s6] =	ssyncadd.s32 @p0 $0xFFFFFFFF  }
0xaf: {  	s7 =	sshll.u32 @!p0 s1, $0xE  }
0xb0: {  	s7 =	sor.u32 @!p0 $0x4000, s7;
	s6 =	simm.s32 @!p0 $0x1B8D  }
0xb1: {  	s5 =	sshll.u32 @!p0 s5, $0x11;
	s7 =	sadd.s32 @!p0 $0x11B8D, s7;
	_ =	swait.eq @!p0 [sflag:s6], $0x1  }
0xb2: {  	s5 =	sor.u32 @!p0 s5, s7;
	[sflag:s6] =	ssyncadd.s32 @!p0 $0xFFFFFFFF  }
0xb3: {  	s25 =	simm.s32 $0x1B8E;
	s24 =	sld [smem:$0x3FFE];
	[sflag:s5] =	ssyncadd.remote.s32 @!p0 $0x1  }
0xb4: {  	s26 =	simm.s32 $execute0_lowered;
	[smem:$0x3FD2] =	sst s25  }
0xb5: {  	s6 =	sshll.u32 s26, $0x1;
	_ =	strace $0x80000049;
	[dreg:$0x1] =	wrdreg $0xFFFFFFFF  }
0xb6: {  	s28 =	simm.s32 $_size_execute0_lowered;
	s4 =	sadd.s32 s4, s6;
	[dreg:$0x0] =	wrdreg $0x0  }
0xb7: {  	s6 =	sshll.u32 s28, $0x1;
	[dreg:$0x2] =	wrdreg s4  }
0xb8: {  	[dreg:$0x3] =	wrdreg s6  }
0xb9: {  	[dreg:$0x4] =	wrdreg $0xC0  }
0xba: {  	_ =	task [dreg:s22], $0x5FFFF  }
0xbb: {  	[dreg:$0x1] =	wrdreg $0xFFFFFFFF  }
0xbc: {  	[dreg:$0x0] =	wrdreg $0x60  }
0xbd: {  	[dreg:$0x2] =	wrdreg s18  }
0xbe: {  	[dreg:$0x3] =	wrdreg s24  }
0xbf: {  	[dreg:$0x4] =	wrdreg $0xA  }
0xc0: {  	_ =	task.clear_ibuf [dreg:s22], $0x5FFFF;
	_ =	strace $0x90000049  }
0xc1: {  	s29 =	simm.s32 $0xA;
	_ =	strace $0x8000004B  }
0xc2: {  	_ =	swait.ge [sflag:s29], $0x1  }
0xc3: {  	[sflag:s29] =	ssyncadd.s32 $0xFFFFFFFF  }
0xc4: {  	_ =	strace $0x9000004B  }
0xc5: {  	_ =	sfence  }
0xc6: {  	s30 =	sld [smem:$0x0];
	_ =	sdelay $0x2  }
0xc7: {  	s31 =	sshll.u32 s1, $0xD;
	s1 =	sshrl.u32 s1, $0x2  }
0xc8: {  	s4 =	sand.u32 $0x4000, s31;
	s1 =	sadd.s32 s1, s30  }
0xc9: {  	s0 =	sor.u32 s4, s0;
	s1 =	sshll.u32 s1, $0x11  }
0xca: {  	s0 =	sor.u32 s1, s0  }
0xcb: {  	s0 =	sadd.s32 $0x8F2B, s0  }
0xcc: {  	[sflag:s0] =	ssyncadd.remote.s32 $0x1  }
0xcd: {  	_ =	sfence.sel $0xFFFF  }
0xce: {  	[dreg:$0x0] =	wrdreg $0xFFFFFFFF;
	(pc) =	sbr.abs _section_cstart, $3  }
0xcf: {  	[dreg:$0x1] =	wrdreg $0xFFFFFFFF  }
0xd0: {  	_ =	task.clear_ibuf [dreg:s22], $0x2FFFF;
	_ =	strace $0x9FFFFFFF  }
0xd1: {  	(tm) =	ssettm $0x7FFFFFFF  }
tec
execute0_lowered:
.L_overlay_start_1:
0x0: {  	(tag) =	ssettag $0x1  }
0x1: {  	s1 =	srdreg.scid  }
0x2: {  	s2 =	rddreg [dreg:$0x0];
	s0 =	stileid.u32  }
0x3: {  	s4 =	rddreg [dreg:$0x1];
	s3 =	simm.s32 $0x0;
	s8 =	simm.s32 $0x80  }
0x4: {  	s26 =	simm.s32 $0x880;
	s9 =	simm.s32 $0x1080;
	s10 =	simm.s32 $0x1880  }
0x5: {  	s11 =	simm.s32 $0x2080;
	s12 =	simm.s32 $0x2880;
	s13 =	simm.s32 $0x3080  }
0x6: {  	s14 =	simm.s32 $0x3880;
	s15 =	simm.s32 $0x4080;
	s16 =	simm.s32 $0x4880  }
0x7: {  	s17 =	simm.s32 $0x5080;
	s18 =	simm.s32 $0x5880;
	s19 =	simm.s32 $0x6080  }
0x8: {  	s20 =	simm.s32 $0x6880;
	s21 =	simm.s32 $0x7080;
	s22 =	simm.s32 $0x7880  }
0x9: {  	s23 =	simm.s32 $0x8080;
	s24 =	simm.s32 $0x8880;
	s28 =	simm.s32 $0xA080  }
0xa: {  	s29 =	simm.s32 $0xA880;
	s30 =	simm.s32 $0xB080;
	s31 =	simm.s32 $0xB880  }
0xb: {  	s1 =	sand.u32 $0x1, s1;
	s5 =	sshll.u32 s0, $0x4;
	[smem:$0x7FF] =	sst s3  }
0xc: {  	s6 =	sshll.u32 s1, $0x3;
	s1 =	ssub.s32 $0x2, s1;
	_ =	strace $0x8000004A  }
0xd: {  	[dreg:$0x5] =	wrdreg s26;
	s26 =	simm.s32 $0x9880;
	s5 =	sor.u32 s6, s5  }
0xe: {  	s7 =	sshrl.u32 s1, $0x1;
	s6 =	smul.u32 $0x300, s5;
	s5 =	sadd.s32 s5, s4  }
0xf: {  	s1 =	ssub.s32 s1, s7;
	s7 =	simm.s32 $0x2;
	s25 =	sadd.s32 $0x1700, s5  }
0x10: {  	v2 =	vlaneseq.u32;
	s5 =	sadd.s32 $0x200, s2;
	s6 =	sadd.s32 s6, s4;
	[dreg:$0x3] =	wrdreg s25  }
0x11: {  	vm0 =	vmmov $0xffff;
	v1 =	vshrl.u32 v2, $0x3;
	s4 =	sadd.s32 $0x100, s2;
	s25 =	simm.s32 $0x9080;
	s6 =	sadd.s32 $0x91800, s6  }
0x12: {  	v0 =	vand.u32 $0x7, v2;
	v2 =	vor.u32 $0x8, v2;
	v1 =	vmul.u32 $0x8, v1;
	[dreg:$0x4] =	wrdreg s6;
	s6 =	smax.u32 s1, $0x1;
	s1 =	simm.s32 $0x1  }
.LBB2_1:
0x13: {  	s0 =	rddreg [dreg:$0x3]  }
0x14: {  	[tilespmem:s3], [sflag:$0x2] =	stream.linear.gather [hbm4b:s0+s3], $0x40, $0x38;
	[tilespmem:$0xC080] =	vst v63  }
0x15: {  	_ =	swait.ge [sflag:s7], $0x40  }
0x16: {  	[sflag:s7] =	ssyncset.done $0x0  }
0x17: {  	[sflag:s7] =	ssyncadd.s32 $0xFFFFFFC0  }
0x18: {  	v3 =	vld [tilespmem:$0x0];
	_ =	sdelay $0x4  }
0x19: {  	v4 =	vshrl.u32 v3, $0x3  }
0x1a: {  	v4 =	vmul.u32 $0x30, v4  }
0x1b: {  	v3 =	vand.u32 $0x7, v3  }
0x1c: {  	v3 =	vor.u32 v3, v4  }
0x1d: {  	v4 =	vperm.xlane v3, v0;
	_ =	sdelay $0x1  }
0x1e: {  	v4 =	vadd.s32 v1, v4;
	_ =	sdelay $0x3  }
0x1f: {  	v3 =	vperm.xlane v3, v2  }
0x20: {  	[tilespmem:s8], [sflag:$0x1] =	stream.indirect_vreg.gather [hbm4b:s2+s3], $0x80, v4, vm0, $0xb8;
	[tilespmem:$0xC080] =	vst v63  }
0x21: {  	s0 =	rddreg [dreg:$0x5];
	v3 =	vadd.s32 v1, v3  }
0x22: {  	[tilespmem:s0], [sflag:$0x1] =	stream.indirect_vreg.gather [hbm4b:s4+s3], $0x80, v4, vm0, $0xb8;
	[tilespmem:$0xC080] =	vst v63  }
0x23: {  	_ = 	snop  }
0x24: {  	[tilespmem:s9], [sflag:$0x1] =	stream.indirect_vreg.gather [hbm4b:s5+s3], $0x80, v4, vm0, $0xb8;
	[tilespmem:$0xC080] =	vst v63  }
0x25: {  	_ = 	snop  }
0x26: {  	[tilespmem:s10], [sflag:$0x1] =	stream.indirect_vreg.gather [hbm4b:s2+s3], $0x80, v3, vm0, $0xb8;
	[tilespmem:$0xC080] =	vst v63  }
0x27: {  	_ = 	snop  }
0x28: {  	[tilespmem:s11], [sflag:$0x1] =	stream.indirect_vreg.gather [hbm4b:s4+s3], $0x80, v3, vm0, $0xb8;
	[tilespmem:$0xC080] =	vst v63  }
0x29: {  	_ = 	snop  }
0x2a: {  	[tilespmem:s12], [sflag:$0x1] =	stream.indirect_vreg.gather [hbm4b:s5+s3], $0x80, v3, vm0, $0xb8;
	[tilespmem:$0xC080] =	vst v63  }
0x2b: {  	v3 =	vld [tilespmem:$0x10];
	_ =	sdelay $0x4  }
0x2c: {  	v61 =	vshrl.u32 v3, $0x3  }
0x2d: {  	v4 =	vmul.u32 $0x30, v61  }
0x2e: {  	v3 =	vand.u32 $0x7, v3  }
0x2f: {  	v3 =	vor.u32 v3, v4  }
0x30: {  	v4 =	vperm.xlane v3, v0;
	_ =	sdelay $0x1  }
0x31: {  	v4 =	vadd.s32 v1, v4;
	_ =	sdelay $0x3  }
0x32: {  	v3 =	vperm.xlane v3, v2  }
0x33: {  	[tilespmem:s13], [sflag:$0x1] =	stream.indirect_vreg.gather [hbm4b:s2+s3], $0x80, v4, vm0, $0xb8;
	[tilespmem:$0xC080] =	vst v63  }
0x34: {  	v3 =	vadd.s32 v1, v3  }
0x35: {  	[tilespmem:s14], [sflag:$0x1] =	stream.indirect_vreg.gather [hbm4b:s4+s3], $0x80, v4, vm0, $0xb8;
	[tilespmem:$0xC080] =	vst v63  }
0x36: {  	_ = 	snop  }
0x37: {  	[tilespmem:s15], [sflag:$0x1] =	stream.indirect_vreg.gather [hbm4b:s5+s3], $0x80, v4, vm0, $0xb8;
	[tilespmem:$0xC080] =	vst v63  }
0x38: {  	_ = 	snop  }
0x39: {  	[tilespmem:s16], [sflag:$0x1] =	stream.indirect_vreg.gather [hbm4b:s2+s3], $0x80, v3, vm0, $0xb8;
	[tilespmem:$0xC080] =	vst v63  }
0x3a: {  	_ = 	snop  }
0x3b: {  	[tilespmem:s17], [sflag:$0x1] =	stream.indirect_vreg.gather [hbm4b:s4+s3], $0x80, v3, vm0, $0xb8;
	[tilespmem:$0xC080] =	vst v63  }
0x3c: {  	_ = 	snop  }
0x3d: {  	[tilespmem:s18], [sflag:$0x1] =	stream.indirect_vreg.gather [hbm4b:s5+s3], $0x80, v3, vm0, $0xb8;
	[tilespmem:$0xC080] =	vst v63  }
0x3e: {  	v3 =	vld [tilespmem:$0x20];
	_ =	sdelay $0x4  }
0x3f: {  	v62 =	vshrl.u32 v3, $0x3  }
0x40: {  	v4 =	vmul.u32 $0x30, v62  }
0x41: {  	v3 =	vand.u32 $0x7, v3  }
0x42: {  	v3 =	vor.u32 v3, v4  }
0x43: {  	v4 =	vperm.xlane v3, v0;
	_ =	sdelay $0x1  }
0x44: {  	v4 =	vadd.s32 v1, v4;
	_ =	sdelay $0x3  }
0x45: {  	v3 =	vperm.xlane v3, v2  }
0x46: {  	[tilespmem:s19], [sflag:$0x1] =	stream.indirect_vreg.gather [hbm4b:s2+s3], $0x80, v4, vm0, $0xb8;
	[tilespmem:$0xC080] =	vst v63  }
0x47: {  	v3 =	vadd.s32 v1, v3  }
0x48: {  	[tilespmem:s20], [sflag:$0x1] =	stream.indirect_vreg.gather [hbm4b:s4+s3], $0x80, v4, vm0, $0xb8;
	[tilespmem:$0xC080] =	vst v63  }
0x49: {  	_ = 	snop  }
0x4a: {  	[tilespmem:s21], [sflag:$0x1] =	stream.indirect_vreg.gather [hbm4b:s5+s3], $0x80, v4, vm0, $0xb8;
	[tilespmem:$0xC080] =	vst v63  }
0x4b: {  	_ = 	snop  }
0x4c: {  	[tilespmem:s22], [sflag:$0x1] =	stream.indirect_vreg.gather [hbm4b:s2+s3], $0x80, v3, vm0, $0xb8;
	[tilespmem:$0xC080] =	vst v63  }
0x4d: {  	_ = 	snop  }
0x4e: {  	[tilespmem:s23], [sflag:$0x1] =	stream.indirect_vreg.gather [hbm4b:s4+s3], $0x80, v3, vm0, $0xb8;
	[tilespmem:$0xC080] =	vst v63  }
0x4f: {  	_ = 	snop  }
0x50: {  	[tilespmem:s24], [sflag:$0x1] =	stream.indirect_vreg.gather [hbm4b:s5+s3], $0x80, v3, vm0, $0xb8;
	[tilespmem:$0xC080] =	vst v63  }
0x51: {  	v3 =	vld [tilespmem:$0x30];
	_ =	sdelay $0x4  }
0x52: {  	v63 =	vshrl.u32 v3, $0x3  }
0x53: {  	v4 =	vmul.u32 $0x30, v63  }
0x54: {  	v3 =	vand.u32 $0x7, v3  }
0x55: {  	v3 =	vor.u32 v3, v4  }
0x56: {  	v4 =	vperm.xlane v3, v0;
	_ =	sdelay $0x1  }
0x57: {  	v4 =	vadd.s32 v1, v4;
	_ =	sdelay $0x3  }
0x58: {  	v3 =	vperm.xlane v3, v2  }
0x59: {  	[tilespmem:s25], [sflag:$0x1] =	stream.indirect_vreg.gather [hbm4b:s2+s3], $0x80, v4, vm0, $0xb8;
	[tilespmem:$0xC080] =	vst v63  }
0x5a: {  	v3 =	vadd.s32 v1, v3  }
0x5b: {  	[tilespmem:s26], [sflag:$0x1] =	stream.indirect_vreg.gather [hbm4b:s4+s3], $0x80, v4, vm0, $0xb8;
	[tilespmem:$0xC080] =	vst v63  }
0x5c: {  	_ = 	snop  }
0x5d: {  	[tilespmem:s28], [sflag:$0x1] =	stream.indirect_vreg.gather [hbm4b:s5+s3], $0x80, v4, vm0, $0xb8;
	[tilespmem:$0xC080] =	vst v63  }
0x5e: {  	_ = 	snop  }
0x5f: {  	[tilespmem:s29], [sflag:$0x1] =	stream.indirect_vreg.gather [hbm4b:s2+s3], $0x80, v3, vm0, $0xb8;
	[tilespmem:$0xC080] =	vst v63  }
0x60: {  	_ = 	snop  }
0x61: {  	[tilespmem:s30], [sflag:$0x1] =	stream.indirect_vreg.gather [hbm4b:s4+s3], $0x80, v3, vm0, $0xb8;
	[tilespmem:$0xC080] =	vst v63  }
0x62: {  	_ = 	snop  }
0x63: {  	[tilespmem:s31], [sflag:$0x1] =	stream.indirect_vreg.gather [hbm4b:s5+s3], $0x80, v3, vm0, $0xb8;
	[tilespmem:$0xC080] =	vst v63  }
0x64: {  	_ =	swait.ge [sflag:s1], $0xC000  }
0x65: {  	p0 =	sne.s32 s6, $0x1;
	[sflag:s1] =	ssyncset.done $0x0  }
.Ltmp0:
0x66: {  	s0 =	rddreg [dreg:$0x4];
	[sflag:s1] =	ssyncadd.s32 $0xFFFF4000;
	(pc) =	sbr.rel @p0 .LBB2_1-.Ltmp0, $4  }
0x67: {  	[hbm4b:s0+s3] =	stream.linear.scatter [tilespmem:s8], [sflag:$0x2], $0xC000, $0x38;
	[tilespmem:$0xC080] =	vst v63  }
0x68: {  	_ =	swait.ge [sflag:s7], $0xC000  }
0x69: {  	[sflag:s7] =	ssyncset.done $0x0  }
0x6a: {  	s6 =	sadd.s32 $0xFFFFFFFF, s6;
	[sflag:s7] =	ssyncadd.s32 $0xFFFF4000  }
0x6b: {  	_ =	sfence.sel $0x180000  }
0x6c: {  	[bflag:$0x0] =	sbarrier.arrive $0xFFFF  }
0x6d: {  	_ =	strace $0x9000004A  }
0x6e: {  	s0 =	stileid.u32;
	[bflag:$0x2] =	sbarrier.arrive $0xFFFF  }
0x6f: {  	p0 =	sne.s32 s0, $0x0;
	s0 =	rddreg [dreg:$0x2]  }
0x70: {  	s0 =	sadd.s32 @!p0 $0x100000, s0  }
0x71: {  	[sflag:s0] =	ssyncadd.tile.s32 @!p0 $0x1;
	_ =	shalt  }
.Lfunc_end2:
_tile_overlayer_lowered:
.L_overlay_start_2:
0x72: {  	(tag) =	ssettag $0x2  }
0x73: {  	s0 =	rddreg [dreg:$0x0];
	s2 =	stileid.u32  }
0x74: {  	s1 =	rddreg [dreg:$0x1];
	p0 =	sne.s32 s2, $0x0  }
0x75: {  	s3 =	rddreg [dreg:$0x2];
	[bflag:$0x3] =	sbarrier.arrive $0xFFFF;
	s2 =	simm.s32 @!p0 $0x1C02  }
0x76: {  	[timem:s3], [sflag:s2] =	dma.local @!p0 [hbm:s0], s1  }
0x77: {  	s0 =	simm.s32 @!p0 $0x2  }
0x78: {  	_ =	swait.ge @!p0 [sflag:s0], s1  }
0x79: {  	s1 =	ssub.s32 @!p0 $0x0, s1;
	[sflag:s0] =	ssyncset.done @!p0 $0x0  }
0x7a: {  	[sflag:s0] =	ssyncadd.s32 @!p0 s1  }
0x7b: {  	[bflag:$0x3] =	sbarrier.arrive $0xFFFF  }
0x7c: {  	_ =	shalt  }

</sc_bundles>
